<compile_context>
chip_gen: v7x
topology: tpu7x:2x2x1
jax: 0.10.2.dev20260603
libtpu: 0.0.44.dev20260713+nightly
codegen_flags: <defaults>
</compile_context>

<pallas_src>
import functools
import jax
import jax.numpy as jnp
from jax import lax
from jax.experimental import pallas as pl
from jax.experimental.pallas import tpu as pltpu
from jax.experimental.pallas import tpu_sc as plsc

_N_NODES = 10000
_N_EDGES = 320000
_MEM_TOTAL = 100000
_MEM_DIM = 128
_E_FEAT = 16
_T_DIM = 100

_NC = 2
_NS = 16
_NW = _NC * _NS
_N_PAD = 10240
_BINS_W = _N_PAD // _NW
_EDGES_W = _N_EDGES // _NW
_L = 16

_f32 = jnp.float32
_i32 = jnp.int32


def _seg_argmax_partial(ts_hbm, dst_hbm, pts_hbm, pid_hbm,
                        ts_v, dst_v, bt_v, be_v):
    wid = lax.axis_index("s") * _NC + lax.axis_index("c")
    ebase = wid * _EDGES_W
    pltpu.sync_copy(ts_hbm.at[pl.ds(ebase, _EDGES_W)], ts_v)
    pltpu.sync_copy(dst_hbm.at[pl.ds(ebase, _EDGES_W)], dst_v)

    neg = jnp.full((_L,), -jnp.inf, _f32)
    mone = jnp.full((_L,), -1, _i32)

    def init_body(i, c):
        bt_v[pl.ds(i * _L, _L)] = neg
        be_v[pl.ds(i * _L, _L)] = mone
        return c
    lax.fori_loop(0, _N_PAD // _L, init_body, 0)

    iota = lax.iota(_i32, _L)

    def edge_body(i, c):
        off = i * _L
        d = dst_v[pl.ds(off, _L)]
        t = ts_v[pl.ds(off, _L)]
        e = iota + (ebase + off)

        at = plsc.load_gather(bt_v, [d])
        ae = plsc.load_gather(be_v, [d])
        win = (t > at) | ((t == at) & (e > ae))
        plsc.store_scatter(bt_v, [d], t, mask=win)
        plsc.store_scatter(be_v, [d], e, mask=win)
        at2 = plsc.load_gather(bt_v, [d])
        ae2 = plsc.load_gather(be_v, [d])
        win2 = (t > at2) | ((t == at2) & (e > ae2))
        n_left = plsc.all_reduce_population_count(win2)

        @pl.when(n_left[0] > 0)
        def _retry():
            def w_body(r, cc):
                rt = plsc.load_gather(bt_v, [d])
                re = plsc.load_gather(be_v, [d])
                w = (t > rt) | ((t == rt) & (e > re))
                plsc.store_scatter(bt_v, [d], t, mask=w)
                plsc.store_scatter(be_v, [d], e, mask=w)
                return cc
            lax.fori_loop(0, _L, w_body, 0)
        return c
    lax.fori_loop(0, _EDGES_W // _L, edge_body, 0)

    pltpu.sync_copy(bt_v, pts_hbm.at[pl.ds(wid * _N_PAD, _N_PAD)])
    pltpu.sync_copy(be_v, pid_hbm.at[pl.ds(wid * _N_PAD, _N_PAD)])


def _merge_and_gather(ptsf_hbm, pidf_hbm, esrc_hbm, efeat_hbm, nid_hbm,
                      lut_hbm, mem_hbm,
                      newts_o, delta_o, featw_o, ssrc_o, sdst_o,
                      bt_v, be_v, mt_v, me_v, bs_v, srcw_v, nsrc_v,
                      tsrc_v, nv_v, ntv_v, newts_v, delta_v, hasf_v,
                      fidx_v, featwT_v, ssrc_v, sdst_v,
                      sem_p, sem_ntv, sem_sdst, sem_w, sem_tsrc,
                      sem_ssrc, sem_f):
    wid = lax.axis_index("s") * _NC + lax.axis_index("c")
    base = wid * _BINS_W
    nv = _BINS_W // _L

    pltpu.sync_copy(nid_hbm.at[pl.ds(base, _BINS_W)], nv_v)
    h_ntv = pltpu.async_copy(lut_hbm.at[nv_v], ntv_v, sem_ntv)
    h_sdst = pltpu.async_copy(mem_hbm.at[nv_v], sdst_v, sem_sdst)

    def fire_body(t, c):
        o = t * _BINS_W
        g = t * _N_PAD + base
        pltpu.async_copy(ptsf_hbm.at[pl.ds(g, _BINS_W)],
                         mt_v.at[pl.ds(o, _BINS_W)], sem_p)
        pltpu.async_copy(pidf_hbm.at[pl.ds(g, _BINS_W)],
                         me_v.at[pl.ds(o, _BINS_W)], sem_p)
        return c
    lax.fori_loop(0, _NW, fire_body, 0)

    def drain_body(t, c):
        o = t * _BINS_W
        g = t * _N_PAD + base
        pltpu.make_async_copy(ptsf_hbm.at[pl.ds(g, _BINS_W)],
                              mt_v.at[pl.ds(o, _BINS_W)], sem_p).wait()
        pltpu.make_async_copy(pidf_hbm.at[pl.ds(g, _BINS_W)],
                              me_v.at[pl.ds(o, _BINS_W)], sem_p).wait()
        return c
    lax.fori_loop(0, _NW, drain_body, 0)

    def vb_init(v, c):
        o = v * _L
        bt_v[pl.ds(o, _L)] = mt_v[pl.ds(o, _L)]
        be_v[pl.ds(o, _L)] = me_v[pl.ds(o, _L)]
        return c
    lax.fori_loop(0, nv, vb_init, 0)

    def merge_body(t, c):
        def vb(v, cc):
            o = v * _L
            bt = bt_v[pl.ds(o, _L)]
            be = be_v[pl.ds(o, _L)]
            mt = mt_v[pl.ds(t * _BINS_W + o, _L)]
            me = me_v[pl.ds(t * _BINS_W + o, _L)]
            w = (mt > bt) | ((mt == bt) & (me > be))
            bt_v[pl.ds(o, _L)] = jnp.where(w, mt, bt)
            be_v[pl.ds(o, _L)] = jnp.where(w, me, be)
            return cc
        lax.fori_loop(0, nv, vb, 0)
        return c
    lax.fori_loop(1, _NW, merge_body, 0)

    def bs_body(v, c):
        o = v * _L
        bs_vec = jnp.maximum(be_v[pl.ds(o, _L)], 0)
        bs_v[pl.ds(o, _L)] = bs_vec
        for j in range(_E_FEAT):
            fidx_v[pl.ds(j * _BINS_W + o, _L)] = bs_vec + j * _N_EDGES
        return c
    lax.fori_loop(0, nv, bs_body, 0)

    for j in range(_E_FEAT):
        pltpu.async_copy(efeat_hbm.at[fidx_v.at[pl.ds(j * _BINS_W, _BINS_W)]],
                         featwT_v.at[pl.ds(j * _BINS_W, _BINS_W)], sem_f)
    pltpu.async_copy(esrc_hbm.at[bs_v], srcw_v, sem_w).wait()
    pltpu.async_copy(nid_hbm.at[srcw_v], nsrc_v, sem_w).wait()
    h_tsrc = pltpu.async_copy(lut_hbm.at[nsrc_v], tsrc_v, sem_tsrc)
    h_ssrc = pltpu.async_copy(mem_hbm.at[nsrc_v], ssrc_v, sem_ssrc)
    h_tsrc.wait()
    h_ntv.wait()

    neg = jnp.full((_L,), -jnp.inf, _f32)
    onev = jnp.full((_L,), 1.0, _f32)
    zerov = jnp.full((_L,), 0.0, _f32)

    def d_body(v, c):
        o = v * _L
        bt = bt_v[pl.ds(o, _L)]
        empty = bt == neg
        delta_v[pl.ds(o, _L)] = bt - tsrc_v[pl.ds(o, _L)]
        hasf_v[pl.ds(o, _L)] = jnp.where(empty, zerov, onev)
        newts_v[pl.ds(o, _L)] = jnp.where(empty, ntv_v[pl.ds(o, _L)], bt)
        return c
    lax.fori_loop(0, nv, d_body, 0)

    h_ssrc.wait()
    h_sdst.wait()
    for j in range(_E_FEAT):
        pltpu.make_async_copy(
            efeat_hbm.at[fidx_v.at[pl.ds(j * _BINS_W, _BINS_W)]],
            featwT_v.at[pl.ds(j * _BINS_W, _BINS_W)], sem_f).wait()

    pltpu.sync_copy(newts_v, newts_o.at[pl.ds(base, _BINS_W)])
    pltpu.sync_copy(delta_v, delta_o.at[pl.ds(base, _BINS_W)])
    pltpu.sync_copy(hasf_v, delta_o.at[pl.ds(_N_PAD + base, _BINS_W)])
    for j in range(_E_FEAT):
        pltpu.sync_copy(featwT_v.at[pl.ds(j * _BINS_W, _BINS_W)],
                        featw_o.at[pl.ds(j * _N_PAD + base, _BINS_W)])
    pltpu.sync_copy(ssrc_v, ssrc_o.at[pl.ds(base, _BINS_W)])
    pltpu.sync_copy(sdst_v, sdst_o.at[pl.ds(base, _BINS_W)])


def _gru_block(ssrc_ref, sdst_ref, featw_ref, dh_ref,
               tw_ref, tb_ref, wis_ref, wid_ref,
               wif_ref, wit_ref, whh_ref, bih_ref, bhh_ref,
               snew_ref):
    f32 = jnp.float32
    cdims = (((0,), (0,)), ((), ()))
    dT = jnp.transpose(dh_ref[...])
    outer = dT[:, :1] * tw_ref[...]
    has_col = dT[:, 1:]
    te = jnp.cos(outer + tb_ref[...])
    sdst = sdst_ref[...]
    gi = (jnp.dot(ssrc_ref[...], wis_ref[...], preferred_element_type=f32)
          + jnp.dot(sdst, wid_ref[...], preferred_element_type=f32)
          + lax.dot_general(featw_ref[...], wif_ref[...], cdims,
                            preferred_element_type=f32)
          + jnp.dot(te, wit_ref[...], preferred_element_type=f32)
          + bih_ref[...])
    gh = jnp.dot(sdst, whh_ref[...], preferred_element_type=f32) + bhh_ref[...]
    D = _MEM_DIM
    r = jax.nn.sigmoid(gi[:, :D] + gh[:, :D])
    z = jax.nn.sigmoid(gi[:, D:2 * D] + gh[:, D:2 * D])
    n = jnp.tanh(gi[:, 2 * D:] + r * gh[:, 2 * D:])
    s_all = (1.0 - z) * n + z * sdst
    has = has_col != 0.0
    snew_ref[...] = jnp.where(has, s_all, sdst)


def kernel(memory, last_update_t, edge_ts, edge_feats, time_w, time_b,
           W_ih, W_hh, b_ih, b_hh, nid, edge_src, edge_dst):
    nid = nid.astype(_i32)
    edge_src = edge_src.astype(_i32)
    edge_dst = edge_dst.astype(_i32)
    nid_pad = jnp.pad(nid, (0, _N_PAD - _N_NODES))

    mesh = plsc.VectorSubcoreMesh(core_axis_name="c", subcore_axis_name="s")
    sc_params = pltpu.CompilerParams(needs_layout_passes=False)

    stage_a = functools.partial(
        pl.kernel,
        out_type=(jax.ShapeDtypeStruct((_NW * _N_PAD,), _f32),
                  jax.ShapeDtypeStruct((_NW * _N_PAD,), _i32)),
        mesh=mesh,
        scratch_types=[pltpu.VMEM((_EDGES_W,), _f32),
                       pltpu.VMEM((_EDGES_W,), _i32),
                       pltpu.VMEM((_N_PAD,), _f32),
                       pltpu.VMEM((_N_PAD,), _i32)],
        compiler_params=sc_params,
    )(_seg_argmax_partial)
    pts, pid = stage_a(edge_ts, edge_dst)

    stage_bc = functools.partial(
        pl.kernel,
        out_type=(jax.ShapeDtypeStruct((_N_PAD,), _f32),
                  jax.ShapeDtypeStruct((2 * _N_PAD,), _f32),
                  jax.ShapeDtypeStruct((_E_FEAT * _N_PAD,), _f32),
                  jax.ShapeDtypeStruct((_N_PAD, _MEM_DIM), _f32),
                  jax.ShapeDtypeStruct((_N_PAD, _MEM_DIM), _f32)),
        mesh=mesh,
        scratch_types=[pltpu.VMEM((_BINS_W,), _f32),
                       pltpu.VMEM((_BINS_W,), _i32),
                       pltpu.VMEM((_NW * _BINS_W,), _f32),
                       pltpu.VMEM((_NW * _BINS_W,), _i32),
                       pltpu.VMEM((_BINS_W,), _i32),
                       pltpu.VMEM((_BINS_W,), _i32),
                       pltpu.VMEM((_BINS_W,), _i32),
                       pltpu.VMEM((_BINS_W,), _f32),
                       pltpu.VMEM((_BINS_W,), _i32),
                       pltpu.VMEM((_BINS_W,), _f32),
                       pltpu.VMEM((_BINS_W,), _f32),
                       pltpu.VMEM((_BINS_W,), _f32),
                       pltpu.VMEM((_BINS_W,), _f32),
                       pltpu.VMEM((_E_FEAT * _BINS_W,), _i32),
                       pltpu.VMEM((_E_FEAT * _BINS_W,), _f32),
                       pltpu.VMEM((_BINS_W, _MEM_DIM), _f32),
                       pltpu.VMEM((_BINS_W, _MEM_DIM), _f32),
                       pltpu.SemaphoreType.DMA,
                       pltpu.SemaphoreType.DMA,
                       pltpu.SemaphoreType.DMA,
                       pltpu.SemaphoreType.DMA,
                       pltpu.SemaphoreType.DMA,
                       pltpu.SemaphoreType.DMA,
                       pltpu.SemaphoreType.DMA],
        compiler_params=pltpu.CompilerParams(needs_layout_passes=False,
                                             use_tc_tiling_on_sc=False),
    )(_merge_and_gather)
    newts, dh_fl, featw_fl, ssrc, sdst = stage_bc(
        pts, pid, edge_src, edge_feats.T.reshape(-1),
        nid_pad, last_update_t, memory)
    featw = featw_fl.reshape(_E_FEAT, _N_PAD)
    dh = dh_fl.reshape(2, _N_PAD)

    B = 512
    grid = (_N_PAD // B,)
    D = _MEM_DIM
    wis = W_ih[:, :D].T
    wid_w = W_ih[:, D:2 * D].T
    wif = W_ih[:, 2 * D:2 * D + _E_FEAT].T
    wit = W_ih[:, 2 * D + _E_FEAT:].T
    whh = W_hh.T
    tw = time_w.reshape(1, _T_DIM)
    tb = time_b.reshape(1, _T_DIM)
    bih = b_ih.reshape(1, 3 * D)
    bhh = b_hh.reshape(1, 3 * D)

    row_spec = lambda w: pl.BlockSpec((B, w), lambda i: (i, 0))
    full_spec = lambda s: pl.BlockSpec(s, lambda i: (0, 0))

    snew = pl.pallas_call(
        _gru_block,
        grid=grid,
        in_specs=[row_spec(D), row_spec(D),
                  pl.BlockSpec((_E_FEAT, B), lambda i: (0, i)),
                  pl.BlockSpec((2, B), lambda i: (0, i)),
                  full_spec((1, _T_DIM)), full_spec((1, _T_DIM)),
                  full_spec((D, 3 * D)), full_spec((D, 3 * D)),
                  full_spec((_E_FEAT, 3 * D)), full_spec((_T_DIM, 3 * D)),
                  full_spec((D, 3 * D)), full_spec((1, 3 * D)),
                  full_spec((1, 3 * D))],
        out_specs=pl.BlockSpec((B, D), lambda i: (i, 0)),
        out_shape=jax.ShapeDtypeStruct((_N_NODES, D), _f32),
    )(ssrc, sdst, featw, dh,
      tw, tb, wis, wid_w, wif, wit, whh, bih, bhh)

    return snew, newts[:_N_NODES]

# --- scband reference (transcript-rebuilt; emitter-appended) ---
"""Pipeline reference for scband-memory-operation-63067299774882 (READ-ONLY COPY).

The authoritative reference and input builder live on the scoring server;
editing this copy changes nothing except your own understanding.
"""

import jax, jax.numpy as jnp
import numpy as np

N_NODES = 10000
N_EDGES = 320000
MEM_TOTAL = 100000
MEM_DIM = 128
E_FEAT = 16
T_DIM = 100
MSG_DIM = MEM_DIM + MEM_DIM + E_FEAT + T_DIM


def setup_inputs(seed: int = 0) -> dict:
    key = jax.random.key(seed)
    ks = jax.random.split(key, 12)
    nid = jax.random.randint(ks[0], (N_NODES,), 0, MEM_TOTAL, dtype=jnp.int32).astype(jnp.int64)
    edge_src = jax.random.randint(ks[1], (N_EDGES,), 0, N_NODES, dtype=jnp.int32).astype(jnp.int64)
    edge_dst = jax.random.randint(ks[2], (N_EDGES,), 0, N_NODES, dtype=jnp.int32).astype(jnp.int64)
    edge_ts = jax.random.uniform(ks[3], (N_EDGES,), dtype=jnp.float32) * 1000.0
    edge_feats = jax.random.normal(ks[4], (N_EDGES, E_FEAT), dtype=jnp.float32)
    memory = jax.random.normal(ks[5], (MEM_TOTAL, MEM_DIM), dtype=jnp.float32) * 0.1
    last_update_t = jax.random.uniform(ks[6], (MEM_TOTAL,), dtype=jnp.float32) * 500.0
    time_w = jnp.asarray((1.0 / 10 ** np.linspace(0, 9, T_DIM)).reshape(T_DIM, 1), dtype=jnp.float32)
    time_b = jnp.zeros((T_DIM,), dtype=jnp.float32)
    s = 1.0 / np.sqrt(MEM_DIM)
    W_ih = jax.random.uniform(ks[7], (3 * MEM_DIM, MSG_DIM), minval=-s, maxval=s, dtype=jnp.float32)
    W_hh = jax.random.uniform(ks[8], (3 * MEM_DIM, MEM_DIM), minval=-s, maxval=s, dtype=jnp.float32)
    b_ih = jax.random.uniform(ks[9], (3 * MEM_DIM,), minval=-s, maxval=s, dtype=jnp.float32)
    b_hh = jax.random.uniform(ks[10], (3 * MEM_DIM,), minval=-s, maxval=s, dtype=jnp.float32)
    return {"memory": memory, "last_update_t": last_update_t, "edge_ts": edge_ts,
            "edge_feats": edge_feats, "time_w": time_w, "time_b": time_b,
            "W_ih": W_ih, "W_hh": W_hh, "b_ih": b_ih, "b_hh": b_hh,
            "nid": nid, "edge_src": edge_src, "edge_dst": edge_dst}


def _gru_cell(x, h, W_ih, W_hh, b_ih, b_hh):
    gi = x @ W_ih.T + b_ih
    gh = h @ W_hh.T + b_hh
    i_r, i_z, i_n = jnp.split(gi, 3, axis=1)
    h_r, h_z, h_n = jnp.split(gh, 3, axis=1)
    r = jax.nn.sigmoid(i_r + h_r)
    z = jax.nn.sigmoid(i_z + h_z)
    n = jnp.tanh(i_n + r * h_n)
    return (1.0 - z) * n + z * h


def reference(memory, last_update_t, edge_ts, edge_feats, time_w, time_b,
              W_ih, W_hh, b_ih, b_hh, nid, edge_src, edge_dst):
    # stick_feat_to_graph: gather global memory state into subgraph
    node_ts = jnp.take(last_update_t, nid, axis=0)          # [N]
    s_old = jnp.take(memory, nid, axis=0)                   # [N, MEM_DIM]
    # msg_fn_cat: per-edge message
    src_delta_time = edge_ts - jnp.take(node_ts, edge_src)  # [E]
    time_encode = jnp.cos(src_delta_time[:, None] * time_w[:, 0][None, :] + time_b[None, :])  # [E, T_DIM]
    m = jnp.concatenate([jnp.take(s_old, edge_src, axis=0),
                         jnp.take(s_old, edge_dst, axis=0),
                         edge_feats, time_encode], axis=1)  # [E, MSG_DIM]
    # agg_last: pick message with latest timestamp per destination node
    seg_max_ts = jax.ops.segment_max(edge_ts, edge_dst, num_segments=N_NODES)
    counts = jax.ops.segment_sum(jnp.ones_like(edge_ts), edge_dst, num_segments=N_NODES)
    has_msg = counts > 0
    eid = jnp.arange(N_EDGES, dtype=jnp.int32)
    is_max = edge_ts == jnp.take(seg_max_ts, edge_dst)
    cand = jnp.where(is_max, eid, -1)
    best = jax.ops.segment_max(cand, edge_dst, num_segments=N_NODES)
    best_safe = jnp.clip(best, 0, N_EDGES - 1)
    m_bar = jnp.take(m, best_safe, axis=0)                  # [N, MSG_DIM]
    # update_memory: GRUCell(m_bar, s)
    s_new_all = _gru_cell(m_bar, s_old, W_ih, W_hh, b_ih, b_hh)
    s_new = jnp.where(has_msg[:, None], s_new_all, s_old)
    new_ts = jnp.where(has_msg, seg_max_ts, node_ts)
    return s_new, new_ts

if __name__ == "__main__":
    import jax
    _d = setup_inputs()
    print(jax.jit(kernel)(*tuple(_d.values())))

</pallas_src>

<mosaic_0001>
#map = affine_map<(d0, d1) -> (0)>
module attributes {stable_mosaic.version = 14 : i64} {
  func.func @_seg_argmax_partial(%arg0: i32, %arg1: i32, %arg2: memref<320000xf32, #tpu.memory_space<hbm>>, %arg3: memref<320000xi32, #tpu.memory_space<hbm>>, %arg4: memref<327680xf32, #tpu.memory_space<hbm>>, %arg5: memref<327680xi32, #tpu.memory_space<hbm>>, %arg6: memref<10000xf32, #tpu.memory_space<vmem>>, %arg7: memref<10000xi32, #tpu.memory_space<vmem>>, %arg8: memref<10240xf32, #tpu.memory_space<vmem>>, %arg9: memref<10240xi32, #tpu.memory_space<vmem>>) attributes {dimension_semantics = [#tpu.dimension_semantics<core_parallel>, #tpu.dimension_semantics<subcore_parallel>], iteration_bounds = array<i64: 2, 16>, scalar_prefetch = 0 : i64, scratch_operands = 4 : i64, tpu.core_type = #tpu.core_type<sc_vector_subcore>, window_params = [{transform_indices = #map}, {transform_indices = #map}, {transform_indices = #map}, {transform_indices = #map}]} {
    %mul3A = arith.constant 2 : i32
    %mul3A_0 = arith.muli %arg1, %mul3A : i32
    %add3A = arith.addi %mul3A_0, %arg0 : i32
    %mul3A_1 = arith.constant 10000 : i32
    %mul3A_2 = arith.muli %add3A, %mul3A_1 : i32
    "tpu.region"() ({
      %run_scoped3A = tpu.sem_alloc : memref<!tpu.dma_semaphore, #tpu.memory_space<semaphore_mem>>
      %dma_start3A = tpu.memref_slice %arg2[%mul3A_2] : memref<320000xf32, #tpu.memory_space<hbm>> -> memref<10000xf32, #tpu.memory_space<hbm>>
      %dma_start3A_21 = tpu.memref_slice %arg2[%mul3A_2] : memref<320000xf32, #tpu.memory_space<hbm>> -> memref<10000xf32, #tpu.memory_space<hbm>>
      tpu.enqueue_dma source(%dma_start3A_21 : memref<10000xf32, #tpu.memory_space<hbm>>) target(%arg6 : memref<10000xf32, #tpu.memory_space<vmem>>) target_semaphore(%run_scoped3A : memref<!tpu.dma_semaphore, #tpu.memory_space<semaphore_mem>>)
      %dma_wait3A = tpu.memref_slice %arg2[%mul3A_2] : memref<320000xf32, #tpu.memory_space<hbm>> -> memref<10000xf32, #tpu.memory_space<hbm>>
      %dma_wait3A_22 = tpu.memref_slice %arg2[%mul3A_2] : memref<320000xf32, #tpu.memory_space<hbm>> -> memref<10000xf32, #tpu.memory_space<hbm>>
      tpu.wait_dma2 semaphore(%run_scoped3A : memref<!tpu.dma_semaphore, #tpu.memory_space<semaphore_mem>>) src(%dma_wait3A_22 : memref<10000xf32, #tpu.memory_space<hbm>>) dst(%arg6 : memref<10000xf32, #tpu.memory_space<vmem>>)
      tpu.yield
    }) : () -> ()
    "tpu.region"() ({
      %run_scoped3A = tpu.sem_alloc : memref<!tpu.dma_semaphore, #tpu.memory_space<semaphore_mem>>
      %dma_start3A = tpu.memref_slice %arg3[%mul3A_2] : memref<320000xi32, #tpu.memory_space<hbm>> -> memref<10000xi32, #tpu.memory_space<hbm>>
      %dma_start3A_21 = tpu.memref_slice %arg3[%mul3A_2] : memref<320000xi32, #tpu.memory_space<hbm>> -> memref<10000xi32, #tpu.memory_space<hbm>>
      tpu.enqueue_dma source(%dma_start3A_21 : memref<10000xi32, #tpu.memory_space<hbm>>) target(%arg7 : memref<10000xi32, #tpu.memory_space<vmem>>) target_semaphore(%run_scoped3A : memref<!tpu.dma_semaphore, #tpu.memory_space<semaphore_mem>>)
      %dma_wait3A = tpu.memref_slice %arg3[%mul3A_2] : memref<320000xi32, #tpu.memory_space<hbm>> -> memref<10000xi32, #tpu.memory_space<hbm>>
      %dma_wait3A_22 = tpu.memref_slice %arg3[%mul3A_2] : memref<320000xi32, #tpu.memory_space<hbm>> -> memref<10000xi32, #tpu.memory_space<hbm>>
      tpu.wait_dma2 semaphore(%run_scoped3A : memref<!tpu.dma_semaphore, #tpu.memory_space<semaphore_mem>>) src(%dma_wait3A_22 : memref<10000xi32, #tpu.memory_space<hbm>>) dst(%arg7 : memref<10000xi32, #tpu.memory_space<vmem>>)
      tpu.yield
    }) : () -> ()
    %broadcast_in_dim3A = arith.constant 0xFF800000 : f32
    %broadcast_in_dim3A_3 = vector.broadcast %broadcast_in_dim3A : f32 to vector<16xf32>
    %broadcast_in_dim3A_4 = arith.constant -1 : i32
    %broadcast_in_dim3A_5 = vector.broadcast %broadcast_in_dim3A_4 : i32 to vector<16xi32>
    %scan3A = arith.constant 0 : i32
    %scan3A_6 = arith.constant 0 : i32
    %scan3A_7 = arith.constant 640 : i32
    %scan3A_8 = arith.addi %scan3A_6, %scan3A_7 : i32
    %scan3A_9 = arith.constant 1 : i32
    scf.for %scan3A_21 = %scan3A_6 to %scan3A_8 step %scan3A_9  : i32 {
      %mul3A_22 = arith.constant 16 : i32
      %mul3A_23 = arith.muli %scan3A_21, %mul3A_22 : i32
      %swap3A = arith.index_cast %mul3A_23 : i32 to index
      %swap3A_24 = tpu.vector_load %arg8[%swap3A] {strides = array<i32>} : memref<10240xf32, #tpu.memory_space<vmem>>, vector<16xf32>,
      tpu.vector_store %arg8[%swap3A], %broadcast_in_dim3A_3 {strides = array<i32>} : memref<10240xf32, #tpu.memory_space<vmem>>, vector<16xf32>,
      %mul3A_25 = arith.constant 16 : i32
      %mul3A_26 = arith.muli %scan3A_21, %mul3A_25 : i32
      %swap3A_27 = arith.index_cast %mul3A_26 : i32 to index
      %swap3A_28 = tpu.vector_load %arg9[%swap3A_27] {strides = array<i32>} : memref<10240xi32, #tpu.memory_space<vmem>>, vector<16xi32>,
      tpu.vector_store %arg9[%swap3A_27], %broadcast_in_dim3A_5 {strides = array<i32>} : memref<10240xi32, #tpu.memory_space<vmem>>, vector<16xi32>,
    }
    %scan3A_10 = arith.constant 640 : i32
    %iota3A = tpu.iota {dimensions = array<i32: 0>} : vector<16xi32>
    %scan3A_11 = arith.constant 0 : i32
    %scan3A_12 = arith.constant 0 : i32
    %scan3A_13 = arith.constant 625 : i32
    %scan3A_14 = arith.addi %scan3A_12, %scan3A_13 : i32
    %scan3A_15 = arith.constant 1 : i32
    scf.for %scan3A_21 = %scan3A_12 to %scan3A_14 step %scan3A_15  : i32 {
      %mul3A_22 = arith.constant 16 : i32
      %mul3A_23 = arith.muli %scan3A_21, %mul3A_22 : i32
      %get3A = arith.index_cast %mul3A_23 : i32 to index
      %get3A_24 = tpu.vector_load %arg7[%get3A] {strides = array<i32>} : memref<10000xi32, #tpu.memory_space<vmem>>, vector<16xi32>,
      %get3A_25 = arith.index_cast %mul3A_23 : i32 to index
      %get3A_26 = tpu.vector_load %arg6[%get3A_25] {strides = array<i32>} : memref<10000xf32, #tpu.memory_space<vmem>>, vector<16xf32>,
      %add3A_27 = arith.addi %mul3A_2, %mul3A_23 : i32
      %add3A_28 = vector.broadcast %add3A_27 : i32 to vector<16xi32>
      %add3A_29 = arith.addi %iota3A, %add3A_28 : vector<16xi32>
      %gather3A = tpu.vector_load_idx %arg8[%get3A_24] : memref<10240xf32, #tpu.memory_space<vmem>>[vector<16xi32>], vector<16xf32>,
      %gather3A_30 = tpu.vector_load_idx %arg9[%get3A_24] : memref<10240xi32, #tpu.memory_space<vmem>>[vector<16xi32>], vector<16xi32>,
      %gt3A = arith.cmpf ogt, %get3A_26, %gather3A : vector<16xf32>
      %eq3A = arith.cmpf oeq, %get3A_26, %gather3A : vector<16xf32>
      %gt3A_31 = arith.cmpi sgt, %add3A_29, %gather3A_30 : vector<16xi32>
      %and3A = arith.andi %eq3A, %gt3A_31 : vector<16xi1>
      %or3A = arith.ori %gt3A, %and3A : vector<16xi1>
      tpu.vector_store_idx %arg8[%get3A_24], %get3A_26 masked %or3A : memref<10240xf32, #tpu.memory_space<vmem>>[vector<16xi32>], vector<16xf32>, vector<16xi1>
      tpu.vector_store_idx %arg9[%get3A_24], %add3A_29 masked %or3A : memref<10240xi32, #tpu.memory_space<vmem>>[vector<16xi32>], vector<16xi32>, vector<16xi1>
      %gather3A_32 = tpu.vector_load_idx %arg8[%get3A_24] : memref<10240xf32, #tpu.memory_space<vmem>>[vector<16xi32>], vector<16xf32>,
      %gather3A_33 = tpu.vector_load_idx %arg9[%get3A_24] : memref<10240xi32, #tpu.memory_space<vmem>>[vector<16xi32>], vector<16xi32>,
      %gt3A_34 = arith.cmpf ogt, %get3A_26, %gather3A_32 : vector<16xf32>
      %eq3A_35 = arith.cmpf oeq, %get3A_26, %gather3A_32 : vector<16xf32>
      %gt3A_36 = arith.cmpi sgt, %add3A_29, %gather3A_33 : vector<16xi32>
      %and3A_37 = arith.andi %eq3A_35, %gt3A_36 : vector<16xi1>
      %or3A_38 = arith.ori %gt3A_34, %and3A_37 : vector<16xi1>
      %all_reduce_population_count3A = tpu.all_reduce %or3A_38 {dim = 0 : i64, kind = #tpu.reduction_kind<sum>} : vector<16xi1> -> vector<16xi32>
      %slice3A = vector.extract_strided_slice %all_reduce_population_count3A {offsets = [0], sizes = [1], strides = [1]} : vector<16xi32> to vector<1xi32>
      %squeeze3A = vector.extract %slice3A[0] : i32 from vector<1xi32>
      %gt3A_39 = arith.constant 0 : i32
      %gt3A_40 = arith.cmpi sgt, %squeeze3A, %gt3A_39 : i32
      %convert_element_type3A = arith.extui %gt3A_40 : i1 to i32
      %cond3A = arith.constant 0 : i32
      %cond3A_41 = arith.cmpi ne, %convert_element_type3A, %cond3A : i32
      scf.if %cond3A_41 {
        %scan3A_42 = arith.constant 0 : i32
        %scan3A_43 = arith.constant 0 : i32
        %scan3A_44 = arith.constant 16 : i32
        %scan3A_45 = arith.addi %scan3A_43, %scan3A_44 : i32
        %scan3A_46 = arith.constant 1 : i32
        scf.for %scan3A_48 = %scan3A_43 to %scan3A_45 step %scan3A_46  : i32 {
          %gather3A_49 = tpu.vector_load_idx %arg8[%get3A_24] : memref<10240xf32, #tpu.memory_space<vmem>>[vector<16xi32>], vector<16xf32>,
          %gather3A_50 = tpu.vector_load_idx %arg9[%get3A_24] : memref<10240xi32, #tpu.memory_space<vmem>>[vector<16xi32>], vector<16xi32>,
          %gt3A_51 = arith.cmpf ogt, %get3A_26, %gather3A_49 : vector<16xf32>
          %eq3A_52 = arith.cmpf oeq, %get3A_26, %gather3A_49 : vector<16xf32>
          %gt3A_53 = arith.cmpi sgt, %add3A_29, %gather3A_50 : vector<16xi32>
          %and3A_54 = arith.andi %eq3A_52, %gt3A_53 : vector<16xi1>
          %or3A_55 = arith.ori %gt3A_51, %and3A_54 : vector<16xi1>
          tpu.vector_store_idx %arg8[%get3A_24], %get3A_26 masked %or3A_55 : memref<10240xf32, #tpu.memory_space<vmem>>[vector<16xi32>], vector<16xf32>, vector<16xi1>
          tpu.vector_store_idx %arg9[%get3A_24], %add3A_29 masked %or3A_55 : memref<10240xi32, #tpu.memory_space<vmem>>[vector<16xi32>], vector<16xi32>, vector<16xi1>
        }
        %scan3A_47 = arith.constant 16 : i32
      } else {
      }
    }
    %scan3A_16 = arith.constant 625 : i32
    %mul3A_17 = arith.constant 10240 : i32
    %mul3A_18 = arith.muli %add3A, %mul3A_17 : i32
    "tpu.region"() ({
      %run_scoped3A = tpu.sem_alloc : memref<!tpu.dma_semaphore, #tpu.memory_space<semaphore_mem>>
      %dma_start3A = tpu.memref_slice %arg4[%mul3A_18] : memref<327680xf32, #tpu.memory_space<hbm>> -> memref<10240xf32, #tpu.memory_space<hbm>>
      %dma_start3A_21 = tpu.memref_slice %arg4[%mul3A_18] : memref<327680xf32, #tpu.memory_space<hbm>> -> memref<10240xf32, #tpu.memory_space<hbm>>
      tpu.enqueue_dma source(%arg8 : memref<10240xf32, #tpu.memory_space<vmem>>) target(%dma_start3A_21 : memref<10240xf32, #tpu.memory_space<hbm>>) target_semaphore(%run_scoped3A : memref<!tpu.dma_semaphore, #tpu.memory_space<semaphore_mem>>)
      %dma_wait3A = tpu.memref_slice %arg4[%mul3A_18] : memref<327680xf32, #tpu.memory_space<hbm>> -> memref<10240xf32, #tpu.memory_space<hbm>>
      %dma_wait3A_22 = tpu.memref_slice %arg4[%mul3A_18] : memref<327680xf32, #tpu.memory_space<hbm>> -> memref<10240xf32, #tpu.memory_space<hbm>>
      tpu.wait_dma2 semaphore(%run_scoped3A : memref<!tpu.dma_semaphore, #tpu.memory_space<semaphore_mem>>) src(%arg8 : memref<10240xf32, #tpu.memory_space<vmem>>) dst(%dma_wait3A_22 : memref<10240xf32, #tpu.memory_space<hbm>>)
      tpu.yield
    }) : () -> ()
    %mul3A_19 = arith.constant 10240 : i32
    %mul3A_20 = arith.muli %add3A, %mul3A_19 : i32
    "tpu.region"() ({
      %run_scoped3A = tpu.sem_alloc : memref<!tpu.dma_semaphore, #tpu.memory_space<semaphore_mem>>
      %dma_start3A = tpu.memref_slice %arg5[%mul3A_20] : memref<327680xi32, #tpu.memory_space<hbm>> -> memref<10240xi32, #tpu.memory_space<hbm>>
      %dma_start3A_21 = tpu.memref_slice %arg5[%mul3A_20] : memref<327680xi32, #tpu.memory_space<hbm>> -> memref<10240xi32, #tpu.memory_space<hbm>>
      tpu.enqueue_dma source(%arg9 : memref<10240xi32, #tpu.memory_space<vmem>>) target(%dma_start3A_21 : memref<10240xi32, #tpu.memory_space<hbm>>) target_semaphore(%run_scoped3A : memref<!tpu.dma_semaphore, #tpu.memory_space<semaphore_mem>>)
      %dma_wait3A = tpu.memref_slice %arg5[%mul3A_20] : memref<327680xi32, #tpu.memory_space<hbm>> -> memref<10240xi32, #tpu.memory_space<hbm>>
      %dma_wait3A_22 = tpu.memref_slice %arg5[%mul3A_20] : memref<327680xi32, #tpu.memory_space<hbm>> -> memref<10240xi32, #tpu.memory_space<hbm>>
      tpu.wait_dma2 semaphore(%run_scoped3A : memref<!tpu.dma_semaphore, #tpu.memory_space<semaphore_mem>>) src(%arg9 : memref<10240xi32, #tpu.memory_space<vmem>>) dst(%dma_wait3A_22 : memref<10240xi32, #tpu.memory_space<hbm>>)
      tpu.yield
    }) : () -> ()
    return
  }
}

#map = affine_map<(d0, d1) -> (0)>
#map1 = affine_map<(d0, d1) -> (0, 0)>
module attributes {stable_mosaic.version = 14 : i64} {
  func.func @_merge_and_gather(%arg0: i32, %arg1: i32, %arg2: memref<327680xf32, #tpu.memory_space<hbm>>, %arg3: memref<327680xi32, #tpu.memory_space<hbm>>, %arg4: memref<320000xi32, #tpu.memory_space<hbm>>, %arg5: memref<5120000xf32, #tpu.memory_space<hbm>>, %arg6: memref<10240xi32, #tpu.memory_space<hbm>>, %arg7: memref<100000xf32, #tpu.memory_space<hbm>>, %arg8: memref<100000x128xf32, #tpu.memory_space<hbm>>, %arg9: memref<10240xf32, #tpu.memory_space<hbm>>, %arg10: memref<20480xf32, #tpu.memory_space<hbm>>, %arg11: memref<163840xf32, #tpu.memory_space<hbm>>, %arg12: memref<10240x128xf32, #tpu.memory_space<hbm>>, %arg13: memref<10240x128xf32, #tpu.memory_space<hbm>>, %arg14: memref<320xf32, #tpu.memory_space<vmem>>, %arg15: memref<320xi32, #tpu.memory_space<vmem>>, %arg16: memref<10240xf32, #tpu.memory_space<vmem>>, %arg17: memref<10240xi32, #tpu.memory_space<vmem>>, %arg18: memref<320xi32, #tpu.memory_space<vmem>>, %arg19: memref<320xi32, #tpu.memory_space<vmem>>, %arg20: memref<320xi32, #tpu.memory_space<vmem>>, %arg21: memref<320xf32, #tpu.memory_space<vmem>>, %arg22: memref<320xi32, #tpu.memory_space<vmem>>, %arg23: memref<320xf32, #tpu.memory_space<vmem>>, %arg24: memref<320xf32, #tpu.memory_space<vmem>>, %arg25: memref<320xf32, #tpu.memory_space<vmem>>, %arg26: memref<320xf32, #tpu.memory_space<vmem>>, %arg27: memref<5120xi32, #tpu.memory_space<vmem>>, %arg28: memref<5120xf32, #tpu.memory_space<vmem>>, %arg29: memref<320x128xf32, #tpu.memory_space<vmem>>, %arg30: memref<320x128xf32, #tpu.memory_space<vmem>>, %arg31: memref<!tpu.dma_semaphore, #tpu.memory_space<semaphore_mem>>, %arg32: memref<!tpu.dma_semaphore, #tpu.memory_space<semaphore_mem>>, %arg33: memref<!tpu.dma_semaphore, #tpu.memory_space<semaphore_mem>>, %arg34: memref<!tpu.dma_semaphore, #tpu.memory_space<semaphore_mem>>, %arg35: memref<!tpu.dma_semaphore, #tpu.memory_space<semaphore_mem>>, %arg36: memref<!tpu.dma_semaphore, #tpu.memory_space<semaphore_mem>>, %arg37: memref<!tpu.dma_semaphore, #tpu.memory_space<semaphore_mem>>) attributes {dimension_semantics = [#tpu.dimension_semantics<core_parallel>, #tpu.dimension_semantics<subcore_parallel>], iteration_bounds = array<i64: 2, 16>, scalar_prefetch = 0 : i64, scratch_operands = 24 : i64, tpu.core_type = #tpu.core_type<sc_vector_subcore>, window_params = [{transform_indices = #map}, {transform_indices = #map}, {transform_indices = #map}, {transform_indices = #map}, {transform_indices = #map}, {transform_indices = #map}, {transform_indices = #map1}, {transform_indices = #map}, {transform_indices = #map}, {transform_indices = #map}, {transform_indices = #map1}, {transform_indices = #map1}]} {
    %mul3A = arith.constant 2 : i32
    %mul3A_0 = arith.muli %arg1, %mul3A : i32
    %add3A = arith.addi %mul3A_0, %arg0 : i32
    %mul3A_1 = arith.constant 320 : i32
    %mul3A_2 = arith.muli %add3A, %mul3A_1 : i32
    "tpu.region"() ({
      %run_scoped3A = tpu.sem_alloc : memref<!tpu.dma_semaphore, #tpu.memory_space<semaphore_mem>>
      %dma_start3A_295 = tpu.memref_slice %arg6[%mul3A_2] : memref<10240xi32, #tpu.memory_space<hbm>> -> memref<320xi32, #tpu.memory_space<hbm>>
      %dma_start3A_296 = tpu.memref_slice %arg6[%mul3A_2] : memref<10240xi32, #tpu.memory_space<hbm>> -> memref<320xi32, #tpu.memory_space<hbm>>
      tpu.enqueue_dma source(%dma_start3A_296 : memref<320xi32, #tpu.memory_space<hbm>>) target(%arg22 : memref<320xi32, #tpu.memory_space<vmem>>) target_semaphore(%run_scoped3A : memref<!tpu.dma_semaphore, #tpu.memory_space<semaphore_mem>>)
      %dma_wait3A_297 = tpu.memref_slice %arg6[%mul3A_2] : memref<10240xi32, #tpu.memory_space<hbm>> -> memref<320xi32, #tpu.memory_space<hbm>>
      %dma_wait3A_298 = tpu.memref_slice %arg6[%mul3A_2] : memref<10240xi32, #tpu.memory_space<hbm>> -> memref<320xi32, #tpu.memory_space<hbm>>
      tpu.wait_dma2 semaphore(%run_scoped3A : memref<!tpu.dma_semaphore, #tpu.memory_space<semaphore_mem>>) src(%dma_wait3A_298 : memref<320xi32, #tpu.memory_space<hbm>>) dst(%arg22 : memref<320xi32, #tpu.memory_space<vmem>>)
      tpu.yield
    }) : () -> ()
    %dma_start3A = arith.constant 0 : i32
    %dma_start3A_3 = tpu.memref_slice %arg7[%dma_start3A] : memref<100000xf32, #tpu.memory_space<hbm>> -> memref<100000xf32, #tpu.memory_space<hbm>>
    tpu.enqueue_indirect_dma source(%dma_start3A_3 : memref<100000xf32, #tpu.memory_space<hbm>>) target(%arg23 : memref<320xf32, #tpu.memory_space<vmem>>) offsets(%arg22 : memref<320xi32, #tpu.memory_space<vmem>>) semaphore(%arg32 : memref<!tpu.dma_semaphore, #tpu.memory_space<semaphore_mem>>)
    %dma_start3A_4 = arith.constant 0 : i32
    %dma_start3A_5 = arith.constant 0 : i32
    %dma_start3A_6 = tpu.memref_slice %arg8[%dma_start3A_4, %dma_start3A_5] : memref<100000x128xf32, #tpu.memory_space<hbm>> -> memref<100000x128xf32, #tpu.memory_space<hbm>>
    tpu.enqueue_indirect_dma source(%dma_start3A_6 : memref<100000x128xf32, #tpu.memory_space<hbm>>) target(%arg30 : memref<320x128xf32, #tpu.memory_space<vmem>>) offsets(%arg22 : memref<320xi32, #tpu.memory_space<vmem>>) semaphore(%arg33 : memref<!tpu.dma_semaphore, #tpu.memory_space<semaphore_mem>>)
    %scan3A = arith.constant 0 : i32
    %scan3A_7 = arith.constant 0 : i32
    %scan3A_8 = arith.constant 32 : i32
    %scan3A_9 = arith.addi %scan3A_7, %scan3A_8 : i32
    %scan3A_10 = arith.constant 1 : i32
    scf.for %scan3A_295 = %scan3A_7 to %scan3A_9 step %scan3A_10  : i32 {
      %mul3A_296 = arith.constant 320 : i32
      %mul3A_297 = arith.muli %scan3A_295, %mul3A_296 : i32
      %mul3A_298 = arith.constant 10240 : i32
      %mul3A_299 = arith.muli %scan3A_295, %mul3A_298 : i32
      %add3A_300 = arith.addi %mul3A_299, %mul3A_2 : i32
      %dma_start3A_301 = tpu.memref_slice %arg16[%mul3A_297] : memref<10240xf32, #tpu.memory_space<vmem>> -> memref<320xf32, #tpu.memory_space<vmem>>
      %dma_start3A_302 = tpu.memref_slice %arg2[%add3A_300] : memref<327680xf32, #tpu.memory_space<hbm>> -> memref<320xf32, #tpu.memory_space<hbm>>
      %dma_start3A_303 = tpu.memref_slice %arg16[%mul3A_297] : memref<10240xf32, #tpu.memory_space<vmem>> -> memref<320xf32, #tpu.memory_space<vmem>>
      %dma_start3A_304 = tpu.memref_slice %arg2[%add3A_300] : memref<327680xf32, #tpu.memory_space<hbm>> -> memref<320xf32, #tpu.memory_space<hbm>>
      tpu.enqueue_dma source(%dma_start3A_304 : memref<320xf32, #tpu.memory_space<hbm>>) target(%dma_start3A_303 : memref<320xf32, #tpu.memory_space<vmem>>) target_semaphore(%arg31 : memref<!tpu.dma_semaphore, #tpu.memory_space<semaphore_mem>>)
      %dma_start3A_305 = tpu.memref_slice %arg17[%mul3A_297] : memref<10240xi32, #tpu.memory_space<vmem>> -> memref<320xi32, #tpu.memory_space<vmem>>
      %dma_start3A_306 = tpu.memref_slice %arg3[%add3A_300] : memref<327680xi32, #tpu.memory_space<hbm>> -> memref<320xi32, #tpu.memory_space<hbm>>
      %dma_start3A_307 = tpu.memref_slice %arg17[%mul3A_297] : memref<10240xi32, #tpu.memory_space<vmem>> -> memref<320xi32, #tpu.memory_space<vmem>>
      %dma_start3A_308 = tpu.memref_slice %arg3[%add3A_300] : memref<327680xi32, #tpu.memory_space<hbm>> -> memref<320xi32, #tpu.memory_space<hbm>>
      tpu.enqueue_dma source(%dma_start3A_308 : memref<320xi32, #tpu.memory_space<hbm>>) target(%dma_start3A_307 : memref<320xi32, #tpu.memory_space<vmem>>) target_semaphore(%arg31 : memref<!tpu.dma_semaphore, #tpu.memory_space<semaphore_mem>>)
    }
    %scan3A_11 = arith.constant 32 : i32
    %scan3A_12 = arith.constant 0 : i32
    %scan3A_13 = arith.constant 0 : i32
    %scan3A_14 = arith.constant 32 : i32
    %scan3A_15 = arith.addi %scan3A_13, %scan3A_14 : i32
    %scan3A_16 = arith.constant 1 : i32
    scf.for %scan3A_295 = %scan3A_13 to %scan3A_15 step %scan3A_16  : i32 {
      %mul3A_296 = arith.constant 320 : i32
      %mul3A_297 = arith.muli %scan3A_295, %mul3A_296 : i32
      %mul3A_298 = arith.constant 10240 : i32
      %mul3A_299 = arith.muli %scan3A_295, %mul3A_298 : i32
      %add3A_300 = arith.addi %mul3A_299, %mul3A_2 : i32
      %dma_wait3A_301 = tpu.memref_slice %arg16[%mul3A_297] : memref<10240xf32, #tpu.memory_space<vmem>> -> memref<320xf32, #tpu.memory_space<vmem>>
      %dma_wait3A_302 = tpu.memref_slice %arg2[%add3A_300] : memref<327680xf32, #tpu.memory_space<hbm>> -> memref<320xf32, #tpu.memory_space<hbm>>
      %dma_wait3A_303 = tpu.memref_slice %arg16[%mul3A_297] : memref<10240xf32, #tpu.memory_space<vmem>> -> memref<320xf32, #tpu.memory_space<vmem>>
      %dma_wait3A_304 = tpu.memref_slice %arg2[%add3A_300] : memref<327680xf32, #tpu.memory_space<hbm>> -> memref<320xf32, #tpu.memory_space<hbm>>
      tpu.wait_dma2 semaphore(%arg31 : memref<!tpu.dma_semaphore, #tpu.memory_space<semaphore_mem>>) src(%dma_wait3A_304 : memref<320xf32, #tpu.memory_space<hbm>>) dst(%dma_wait3A_303 : memref<320xf32, #tpu.memory_space<vmem>>)
      %dma_wait3A_305 = tpu.memref_slice %arg17[%mul3A_297] : memref<10240xi32, #tpu.memory_space<vmem>> -> memref<320xi32, #tpu.memory_space<vmem>>
      %dma_wait3A_306 = tpu.memref_slice %arg3[%add3A_300] : memref<327680xi32, #tpu.memory_space<hbm>> -> memref<320xi32, #tpu.memory_space<hbm>>
      %dma_wait3A_307 = tpu.memref_slice %arg17[%mul3A_297] : memref<10240xi32, #tpu.memory_space<vmem>> -> memref<320xi32, #tpu.memory_space<vmem>>
      %dma_wait3A_308 = tpu.memref_slice %arg3[%add3A_300] : memref<327680xi32, #tpu.memory_space<hbm>> -> memref<320xi32, #tpu.memory_space<hbm>>
      tpu.wait_dma2 semaphore(%arg31 : memref<!tpu.dma_semaphore, #tpu.memory_space<semaphore_mem>>) src(%dma_wait3A_308 : memref<320xi32, #tpu.memory_space<hbm>>) dst(%dma_wait3A_307 : memref<320xi32, #tpu.memory_space<vmem>>)
    }
    %scan3A_17 = arith.constant 32 : i32
    %scan3A_18 = arith.constant 0 : i32
    %scan3A_19 = arith.constant 0 : i32
    %scan3A_20 = arith.constant 20 : i32
    %scan3A_21 = arith.addi %scan3A_19, %scan3A_20 : i32
    %scan3A_22 = arith.constant 1 : i32
    scf.for %scan3A_295 = %scan3A_19 to %scan3A_21 step %scan3A_22  : i32 {
      %mul3A_296 = arith.constant 16 : i32
      %mul3A_297 = arith.muli %scan3A_295, %mul3A_296 : i32
      %get3A = arith.index_cast %mul3A_297 : i32 to index
      %get3A_298 = tpu.vector_load %arg16[%get3A] {strides = array<i32>} : memref<10240xf32, #tpu.memory_space<vmem>>, vector<16xf32>,
      %swap3A = arith.index_cast %mul3A_297 : i32 to index
      %swap3A_299 = tpu.vector_load %arg14[%swap3A] {strides = array<i32>} : memref<320xf32, #tpu.memory_space<vmem>>, vector<16xf32>,
      tpu.vector_store %arg14[%swap3A], %get3A_298 {strides = array<i32>} : memref<320xf32, #tpu.memory_space<vmem>>, vector<16xf32>,
      %get3A_300 = arith.index_cast %mul3A_297 : i32 to index
      %get3A_301 = tpu.vector_load %arg17[%get3A_300] {strides = array<i32>} : memref<10240xi32, #tpu.memory_space<vmem>>, vector<16xi32>,
      %swap3A_302 = arith.index_cast %mul3A_297 : i32 to index
      %swap3A_303 = tpu.vector_load %arg15[%swap3A_302] {strides = array<i32>} : memref<320xi32, #tpu.memory_space<vmem>>, vector<16xi32>,
      tpu.vector_store %arg15[%swap3A_302], %get3A_301 {strides = array<i32>} : memref<320xi32, #tpu.memory_space<vmem>>, vector<16xi32>,
    }
    %scan3A_23 = arith.constant 20 : i32
    %scan3A_24 = arith.constant 0 : i32
    %scan3A_25 = arith.constant 1 : i32
    %scan3A_26 = arith.constant 31 : i32
    %scan3A_27 = arith.addi %scan3A_25, %scan3A_26 : i32
    %scan3A_28 = arith.constant 1 : i32
    scf.for %scan3A_295 = %scan3A_25 to %scan3A_27 step %scan3A_28  : i32 {
      %scan3A_296 = arith.constant 0 : i32
      %scan3A_297 = arith.constant 0 : i32
      %scan3A_298 = arith.constant 20 : i32
      %scan3A_299 = arith.addi %scan3A_297, %scan3A_298 : i32
      %scan3A_300 = arith.constant 1 : i32
      scf.for %scan3A_302 = %scan3A_297 to %scan3A_299 step %scan3A_300  : i32 {
        %mul3A_303 = arith.constant 16 : i32
        %mul3A_304 = arith.muli %scan3A_302, %mul3A_303 : i32
        %get3A = arith.index_cast %mul3A_304 : i32 to index
        %get3A_305 = tpu.vector_load %arg14[%get3A] {strides = array<i32>} : memref<320xf32, #tpu.memory_space<vmem>>, vector<16xf32>,
        %get3A_306 = arith.index_cast %mul3A_304 : i32 to index
        %get3A_307 = tpu.vector_load %arg15[%get3A_306] {strides = array<i32>} : memref<320xi32, #tpu.memory_space<vmem>>, vector<16xi32>,
        %mul3A_308 = arith.constant 320 : i32
        %mul3A_309 = arith.muli %scan3A_295, %mul3A_308 : i32
        %add3A_310 = arith.addi %mul3A_309, %mul3A_304 : i32
        %get3A_311 = arith.index_cast %add3A_310 : i32 to index
        %get3A_312 = tpu.vector_load %arg16[%get3A_311] {strides = array<i32>} : memref<10240xf32, #tpu.memory_space<vmem>>, vector<16xf32>,
        %mul3A_313 = arith.constant 320 : i32
        %mul3A_314 = arith.muli %scan3A_295, %mul3A_313 : i32
        %add3A_315 = arith.addi %mul3A_314, %mul3A_304 : i32
        %get3A_316 = arith.index_cast %add3A_315 : i32 to index
        %get3A_317 = tpu.vector_load %arg17[%get3A_316] {strides = array<i32>} : memref<10240xi32, #tpu.memory_space<vmem>>, vector<16xi32>,
        %gt3A = arith.cmpf ogt, %get3A_312, %get3A_305 : vector<16xf32>
        %eq3A = arith.cmpf oeq, %get3A_312, %get3A_305 : vector<16xf32>
        %gt3A_318 = arith.cmpi sgt, %get3A_317, %get3A_307 : vector<16xi32>
        %and3A = arith.andi %eq3A, %gt3A_318 : vector<16xi1>
        %or3A = arith.ori %gt3A, %and3A : vector<16xi1>
        %select_n3A = arith.select %or3A, %get3A_312, %get3A_305 : vector<16xi1>, vector<16xf32>
        %swap3A = arith.index_cast %mul3A_304 : i32 to index
        %swap3A_319 = tpu.vector_load %arg14[%swap3A] {strides = array<i32>} : memref<320xf32, #tpu.memory_space<vmem>>, vector<16xf32>,
        tpu.vector_store %arg14[%swap3A], %select_n3A {strides = array<i32>} : memref<320xf32, #tpu.memory_space<vmem>>, vector<16xf32>,
        %select_n3A_320 = arith.select %or3A, %get3A_317, %get3A_307 : vector<16xi1>, vector<16xi32>
        %swap3A_321 = arith.index_cast %mul3A_304 : i32 to index
        %swap3A_322 = tpu.vector_load %arg15[%swap3A_321] {strides = array<i32>} : memref<320xi32, #tpu.memory_space<vmem>>, vector<16xi32>,
        tpu.vector_store %arg15[%swap3A_321], %select_n3A_320 {strides = array<i32>} : memref<320xi32, #tpu.memory_space<vmem>>, vector<16xi32>,
      }
      %scan3A_301 = arith.constant 20 : i32
    }
    %scan3A_29 = arith.constant 31 : i32
    %scan3A_30 = arith.constant 0 : i32
    %scan3A_31 = arith.constant 0 : i32
    %scan3A_32 = arith.constant 20 : i32
    %scan3A_33 = arith.addi %scan3A_31, %scan3A_32 : i32
    %scan3A_34 = arith.constant 1 : i32
    scf.for %scan3A_295 = %scan3A_31 to %scan3A_33 step %scan3A_34  : i32 {
      %mul3A_296 = arith.constant 16 : i32
      %mul3A_297 = arith.muli %scan3A_295, %mul3A_296 : i32
      %get3A = arith.index_cast %mul3A_297 : i32 to index
      %get3A_298 = tpu.vector_load %arg15[%get3A] {strides = array<i32>} : memref<320xi32, #tpu.memory_space<vmem>>, vector<16xi32>,
      %max3A = arith.constant 0 : i32
      %max3A_299 = vector.broadcast %max3A : i32 to vector<16xi32>
      %max3A_300 = arith.maxsi %get3A_298, %max3A_299 : vector<16xi32>
      %swap3A = arith.index_cast %mul3A_297 : i32 to index
      %swap3A_301 = tpu.vector_load %arg18[%swap3A] {strides = array<i32>} : memref<320xi32, #tpu.memory_space<vmem>>, vector<16xi32>,
      tpu.vector_store %arg18[%swap3A], %max3A_300 {strides = array<i32>} : memref<320xi32, #tpu.memory_space<vmem>>, vector<16xi32>,
      %add3A_302 = arith.constant 0 : i32
      %add3A_303 = vector.broadcast %add3A_302 : i32 to vector<16xi32>
      %add3A_304 = arith.addi %max3A_300, %add3A_303 : vector<16xi32>
      %add3A_305 = arith.constant 0 : i32
      %add3A_306 = arith.addi %add3A_305, %mul3A_297 : i32
      %swap3A_307 = arith.index_cast %add3A_306 : i32 to index
      %swap3A_308 = tpu.vector_load %arg27[%swap3A_307] {strides = array<i32>} : memref<5120xi32, #tpu.memory_space<vmem>>, vector<16xi32>,
      tpu.vector_store %arg27[%swap3A_307], %add3A_304 {strides = array<i32>} : memref<5120xi32, #tpu.memory_space<vmem>>, vector<16xi32>,
      %add3A_309 = arith.constant 320000 : i32
      %add3A_310 = vector.broadcast %add3A_309 : i32 to vector<16xi32>
      %add3A_311 = arith.addi %max3A_300, %add3A_310 : vector<16xi32>
      %add3A_312 = arith.constant 320 : i32
      %add3A_313 = arith.addi %add3A_312, %mul3A_297 : i32
      %swap3A_314 = arith.index_cast %add3A_313 : i32 to index
      %swap3A_315 = tpu.vector_load %arg27[%swap3A_314] {strides = array<i32>} : memref<5120xi32, #tpu.memory_space<vmem>>, vector<16xi32>,
      tpu.vector_store %arg27[%swap3A_314], %add3A_311 {strides = array<i32>} : memref<5120xi32, #tpu.memory_space<vmem>>, vector<16xi32>,
      %add3A_316 = arith.constant 640000 : i32
      %add3A_317 = vector.broadcast %add3A_316 : i32 to vector<16xi32>
      %add3A_318 = arith.addi %max3A_300, %add3A_317 : vector<16xi32>
      %add3A_319 = arith.constant 640 : i32
      %add3A_320 = arith.addi %add3A_319, %mul3A_297 : i32
      %swap3A_321 = arith.index_cast %add3A_320 : i32 to index
      %swap3A_322 = tpu.vector_load %arg27[%swap3A_321] {strides = array<i32>} : memref<5120xi32, #tpu.memory_space<vmem>>, vector<16xi32>,
      tpu.vector_store %arg27[%swap3A_321], %add3A_318 {strides = array<i32>} : memref<5120xi32, #tpu.memory_space<vmem>>, vector<16xi32>,
      %add3A_323 = arith.constant 960000 : i32
      %add3A_324 = vector.broadcast %add3A_323 : i32 to vector<16xi32>
      %add3A_325 = arith.addi %max3A_300, %add3A_324 : vector<16xi32>
      %add3A_326 = arith.constant 960 : i32
      %add3A_327 = arith.addi %add3A_326, %mul3A_297 : i32
      %swap3A_328 = arith.index_cast %add3A_327 : i32 to index
      %swap3A_329 = tpu.vector_load %arg27[%swap3A_328] {strides = array<i32>} : memref<5120xi32, #tpu.memory_space<vmem>>, vector<16xi32>,
      tpu.vector_store %arg27[%swap3A_328], %add3A_325 {strides = array<i32>} : memref<5120xi32, #tpu.memory_space<vmem>>, vector<16xi32>,
      %add3A_330 = arith.constant 1280000 : i32
      %add3A_331 = vector.broadcast %add3A_330 : i32 to vector<16xi32>
      %add3A_332 = arith.addi %max3A_300, %add3A_331 : vector<16xi32>
      %add3A_333 = arith.constant 1280 : i32
      %add3A_334 = arith.addi %add3A_333, %mul3A_297 : i32
      %swap3A_335 = arith.index_cast %add3A_334 : i32 to index
      %swap3A_336 = tpu.vector_load %arg27[%swap3A_335] {strides = array<i32>} : memref<5120xi32, #tpu.memory_space<vmem>>, vector<16xi32>,
      tpu.vector_store %arg27[%swap3A_335], %add3A_332 {strides = array<i32>} : memref<5120xi32, #tpu.memory_space<vmem>>, vector<16xi32>,
      %add3A_337 = arith.constant 1600000 : i32
      %add3A_338 = vector.broadcast %add3A_337 : i32 to vector<16xi32>
      %add3A_339 = arith.addi %max3A_300, %add3A_338 : vector<16xi32>
      %add3A_340 = arith.constant 1600 : i32
      %add3A_341 = arith.addi %add3A_340, %mul3A_297 : i32
      %swap3A_342 = arith.index_cast %add3A_341 : i32 to index
      %swap3A_343 = tpu.vector_load %arg27[%swap3A_342] {strides = array<i32>} : memref<5120xi32, #tpu.memory_space<vmem>>, vector<16xi32>,
      tpu.vector_store %arg27[%swap3A_342], %add3A_339 {strides = array<i32>} : memref<5120xi32, #tpu.memory_space<vmem>>, vector<16xi32>,
      %add3A_344 = arith.constant 1920000 : i32
      %add3A_345 = vector.broadcast %add3A_344 : i32 to vector<16xi32>
      %add3A_346 = arith.addi %max3A_300, %add3A_345 : vector<16xi32>
      %add3A_347 = arith.constant 1920 : i32
      %add3A_348 = arith.addi %add3A_347, %mul3A_297 : i32
      %swap3A_349 = arith.index_cast %add3A_348 : i32 to index
      %swap3A_350 = tpu.vector_load %arg27[%swap3A_349] {strides = array<i32>} : memref<5120xi32, #tpu.memory_space<vmem>>, vector<16xi32>,
      tpu.vector_store %arg27[%swap3A_349], %add3A_346 {strides = array<i32>} : memref<5120xi32, #tpu.memory_space<vmem>>, vector<16xi32>,
      %add3A_351 = arith.constant 2240000 : i32
      %add3A_352 = vector.broadcast %add3A_351 : i32 to vector<16xi32>
      %add3A_353 = arith.addi %max3A_300, %add3A_352 : vector<16xi32>
      %add3A_354 = arith.constant 2240 : i32
      %add3A_355 = arith.addi %add3A_354, %mul3A_297 : i32
      %swap3A_356 = arith.index_cast %add3A_355 : i32 to index
      %swap3A_357 = tpu.vector_load %arg27[%swap3A_356] {strides = array<i32>} : memref<5120xi32, #tpu.memory_space<vmem>>, vector<16xi32>,
      tpu.vector_store %arg27[%swap3A_356], %add3A_353 {strides = array<i32>} : memref<5120xi32, #tpu.memory_space<vmem>>, vector<16xi32>,
      %add3A_358 = arith.constant 2560000 : i32
      %add3A_359 = vector.broadcast %add3A_358 : i32 to vector<16xi32>
      %add3A_360 = arith.addi %max3A_300, %add3A_359 : vector<16xi32>
      %add3A_361 = arith.constant 2560 : i32
      %add3A_362 = arith.addi %add3A_361, %mul3A_297 : i32
      %swap3A_363 = arith.index_cast %add3A_362 : i32 to index
      %swap3A_364 = tpu.vector_load %arg27[%swap3A_363] {strides = array<i32>} : memref<5120xi32, #tpu.memory_space<vmem>>, vector<16xi32>,
      tpu.vector_store %arg27[%swap3A_363], %add3A_360 {strides = array<i32>} : memref<5120xi32, #tpu.memory_space<vmem>>, vector<16xi32>,
      %add3A_365 = arith.constant 2880000 : i32
      %add3A_366 = vector.broadcast %add3A_365 : i32 to vector<16xi32>
      %add3A_367 = arith.addi %max3A_300, %add3A_366 : vector<16xi32>
      %add3A_368 = arith.constant 2880 : i32
      %add3A_369 = arith.addi %add3A_368, %mul3A_297 : i32
      %swap3A_370 = arith.index_cast %add3A_369 : i32 to index
      %swap3A_371 = tpu.vector_load %arg27[%swap3A_370] {strides = array<i32>} : memref<5120xi32, #tpu.memory_space<vmem>>, vector<16xi32>,
      tpu.vector_store %arg27[%swap3A_370], %add3A_367 {strides = array<i32>} : memref<5120xi32, #tpu.memory_space<vmem>>, vector<16xi32>,
      %add3A_372 = arith.constant 3200000 : i32
      %add3A_373 = vector.broadcast %add3A_372 : i32 to vector<16xi32>
      %add3A_374 = arith.addi %max3A_300, %add3A_373 : vector<16xi32>
      %add3A_375 = arith.constant 3200 : i32
      %add3A_376 = arith.addi %add3A_375, %mul3A_297 : i32
      %swap3A_377 = arith.index_cast %add3A_376 : i32 to index
      %swap3A_378 = tpu.vector_load %arg27[%swap3A_377] {strides = array<i32>} : memref<5120xi32, #tpu.memory_space<vmem>>, vector<16xi32>,
      tpu.vector_store %arg27[%swap3A_377], %add3A_374 {strides = array<i32>} : memref<5120xi32, #tpu.memory_space<vmem>>, vector<16xi32>,
      %add3A_379 = arith.constant 3520000 : i32
      %add3A_380 = vector.broadcast %add3A_379 : i32 to vector<16xi32>
      %add3A_381 = arith.addi %max3A_300, %add3A_380 : vector<16xi32>
      %add3A_382 = arith.constant 3520 : i32
      %add3A_383 = arith.addi %add3A_382, %mul3A_297 : i32
      %swap3A_384 = arith.index_cast %add3A_383 : i32 to index
      %swap3A_385 = tpu.vector_load %arg27[%swap3A_384] {strides = array<i32>} : memref<5120xi32, #tpu.memory_space<vmem>>, vector<16xi32>,
      tpu.vector_store %arg27[%swap3A_384], %add3A_381 {strides = array<i32>} : memref<5120xi32, #tpu.memory_space<vmem>>, vector<16xi32>,
      %add3A_386 = arith.constant 3840000 : i32
      %add3A_387 = vector.broadcast %add3A_386 : i32 to vector<16xi32>
      %add3A_388 = arith.addi %max3A_300, %add3A_387 : vector<16xi32>
      %add3A_389 = arith.constant 3840 : i32
      %add3A_390 = arith.addi %add3A_389, %mul3A_297 : i32
      %swap3A_391 = arith.index_cast %add3A_390 : i32 to index
      %swap3A_392 = tpu.vector_load %arg27[%swap3A_391] {strides = array<i32>} : memref<5120xi32, #tpu.memory_space<vmem>>, vector<16xi32>,
      tpu.vector_store %arg27[%swap3A_391], %add3A_388 {strides = array<i32>} : memref<5120xi32, #tpu.memory_space<vmem>>, vector<16xi32>,
      %add3A_393 = arith.constant 4160000 : i32
      %add3A_394 = vector.broadcast %add3A_393 : i32 to vector<16xi32>
      %add3A_395 = arith.addi %max3A_300, %add3A_394 : vector<16xi32>
      %add3A_396 = arith.constant 4160 : i32
      %add3A_397 = arith.addi %add3A_396, %mul3A_297 : i32
      %swap3A_398 = arith.index_cast %add3A_397 : i32 to index
      %swap3A_399 = tpu.vector_load %arg27[%swap3A_398] {strides = array<i32>} : memref<5120xi32, #tpu.memory_space<vmem>>, vector<16xi32>,
      tpu.vector_store %arg27[%swap3A_398], %add3A_395 {strides = array<i32>} : memref<5120xi32, #tpu.memory_space<vmem>>, vector<16xi32>,
      %add3A_400 = arith.constant 4480000 : i32
      %add3A_401 = vector.broadcast %add3A_400 : i32 to vector<16xi32>
      %add3A_402 = arith.addi %max3A_300, %add3A_401 : vector<16xi32>
      %add3A_403 = arith.constant 4480 : i32
      %add3A_404 = arith.addi %add3A_403, %mul3A_297 : i32
      %swap3A_405 = arith.index_cast %add3A_404 : i32 to index
      %swap3A_406 = tpu.vector_load %arg27[%swap3A_405] {strides = array<i32>} : memref<5120xi32, #tpu.memory_space<vmem>>, vector<16xi32>,
      tpu.vector_store %arg27[%swap3A_405], %add3A_402 {strides = array<i32>} : memref<5120xi32, #tpu.memory_space<vmem>>, vector<16xi32>,
      %add3A_407 = arith.constant 4800000 : i32
      %add3A_408 = vector.broadcast %add3A_407 : i32 to vector<16xi32>
      %add3A_409 = arith.addi %max3A_300, %add3A_408 : vector<16xi32>
      %add3A_410 = arith.constant 4800 : i32
      %add3A_411 = arith.addi %add3A_410, %mul3A_297 : i32
      %swap3A_412 = arith.index_cast %add3A_411 : i32 to index
      %swap3A_413 = tpu.vector_load %arg27[%swap3A_412] {strides = array<i32>} : memref<5120xi32, #tpu.memory_space<vmem>>, vector<16xi32>,
      tpu.vector_store %arg27[%swap3A_412], %add3A_409 {strides = array<i32>} : memref<5120xi32, #tpu.memory_space<vmem>>, vector<16xi32>,
    }
    %scan3A_35 = arith.constant 20 : i32
    %dma_start3A_36 = arith.constant 0 : i32
    %dma_start3A_37 = tpu.memref_slice %arg28[%dma_start3A_36] : memref<5120xf32, #tpu.memory_space<vmem>> -> memref<320xf32, #tpu.memory_space<vmem>>
    %dma_start3A_38 = arith.constant 0 : i32
    %dma_start3A_39 = tpu.memref_slice %arg27[%dma_start3A_38] : memref<5120xi32, #tpu.memory_space<vmem>> -> memref<320xi32, #tpu.memory_space<vmem>>
    %dma_start3A_40 = arith.constant 0 : i32
    %dma_start3A_41 = tpu.memref_slice %arg5[%dma_start3A_40] : memref<5120000xf32, #tpu.memory_space<hbm>> -> memref<5120000xf32, #tpu.memory_space<hbm>>
    tpu.enqueue_indirect_dma source(%dma_start3A_41 : memref<5120000xf32, #tpu.memory_space<hbm>>) target(%dma_start3A_37 : memref<320xf32, #tpu.memory_space<vmem>>) offsets(%dma_start3A_39 : memref<320xi32, #tpu.memory_space<vmem>>) semaphore(%arg37 : memref<!tpu.dma_semaphore, #tpu.memory_space<semaphore_mem>>)
    %dma_start3A_42 = arith.constant 320 : i32
    %dma_start3A_43 = tpu.memref_slice %arg28[%dma_start3A_42] : memref<5120xf32, #tpu.memory_space<vmem>> -> memref<320xf32, #tpu.memory_space<vmem>>
    %dma_start3A_44 = arith.constant 320 : i32
    %dma_start3A_45 = tpu.memref_slice %arg27[%dma_start3A_44] : memref<5120xi32, #tpu.memory_space<vmem>> -> memref<320xi32, #tpu.memory_space<vmem>>
    %dma_start3A_46 = arith.constant 0 : i32
    %dma_start3A_47 = tpu.memref_slice %arg5[%dma_start3A_46] : memref<5120000xf32, #tpu.memory_space<hbm>> -> memref<5120000xf32, #tpu.memory_space<hbm>>
    tpu.enqueue_indirect_dma source(%dma_start3A_47 : memref<5120000xf32, #tpu.memory_space<hbm>>) target(%dma_start3A_43 : memref<320xf32, #tpu.memory_space<vmem>>) offsets(%dma_start3A_45 : memref<320xi32, #tpu.memory_space<vmem>>) semaphore(%arg37 : memref<!tpu.dma_semaphore, #tpu.memory_space<semaphore_mem>>)
    %dma_start3A_48 = arith.constant 640 : i32
    %dma_start3A_49 = tpu.memref_slice %arg28[%dma_start3A_48] : memref<5120xf32, #tpu.memory_space<vmem>> -> memref<320xf32, #tpu.memory_space<vmem>>
    %dma_start3A_50 = arith.constant 640 : i32
    %dma_start3A_51 = tpu.memref_slice %arg27[%dma_start3A_50] : memref<5120xi32, #tpu.memory_space<vmem>> -> memref<320xi32, #tpu.memory_space<vmem>>
    %dma_start3A_52 = arith.constant 0 : i32
    %dma_start3A_53 = tpu.memref_slice %arg5[%dma_start3A_52] : memref<5120000xf32, #tpu.memory_space<hbm>> -> memref<5120000xf32, #tpu.memory_space<hbm>>
    tpu.enqueue_indirect_dma source(%dma_start3A_53 : memref<5120000xf32, #tpu.memory_space<hbm>>) target(%dma_start3A_49 : memref<320xf32, #tpu.memory_space<vmem>>) offsets(%dma_start3A_51 : memref<320xi32, #tpu.memory_space<vmem>>) semaphore(%arg37 : memref<!tpu.dma_semaphore, #tpu.memory_space<semaphore_mem>>)
    %dma_start3A_54 = arith.constant 960 : i32
    %dma_start3A_55 = tpu.memref_slice %arg28[%dma_start3A_54] : memref<5120xf32, #tpu.memory_space<vmem>> -> memref<320xf32, #tpu.memory_space<vmem>>
    %dma_start3A_56 = arith.constant 960 : i32
    %dma_start3A_57 = tpu.memref_slice %arg27[%dma_start3A_56] : memref<5120xi32, #tpu.memory_space<vmem>> -> memref<320xi32, #tpu.memory_space<vmem>>
    %dma_start3A_58 = arith.constant 0 : i32
    %dma_start3A_59 = tpu.memref_slice %arg5[%dma_start3A_58] : memref<5120000xf32, #tpu.memory_space<hbm>> -> memref<5120000xf32, #tpu.memory_space<hbm>>
    tpu.enqueue_indirect_dma source(%dma_start3A_59 : memref<5120000xf32, #tpu.memory_space<hbm>>) target(%dma_start3A_55 : memref<320xf32, #tpu.memory_space<vmem>>) offsets(%dma_start3A_57 : memref<320xi32, #tpu.memory_space<vmem>>) semaphore(%arg37 : memref<!tpu.dma_semaphore, #tpu.memory_space<semaphore_mem>>)
    %dma_start3A_60 = arith.constant 1280 : i32
    %dma_start3A_61 = tpu.memref_slice %arg28[%dma_start3A_60] : memref<5120xf32, #tpu.memory_space<vmem>> -> memref<320xf32, #tpu.memory_space<vmem>>
    %dma_start3A_62 = arith.constant 1280 : i32
    %dma_start3A_63 = tpu.memref_slice %arg27[%dma_start3A_62] : memref<5120xi32, #tpu.memory_space<vmem>> -> memref<320xi32, #tpu.memory_space<vmem>>
    %dma_start3A_64 = arith.constant 0 : i32
    %dma_start3A_65 = tpu.memref_slice %arg5[%dma_start3A_64] : memref<5120000xf32, #tpu.memory_space<hbm>> -> memref<5120000xf32, #tpu.memory_space<hbm>>
    tpu.enqueue_indirect_dma source(%dma_start3A_65 : memref<5120000xf32, #tpu.memory_space<hbm>>) target(%dma_start3A_61 : memref<320xf32, #tpu.memory_space<vmem>>) offsets(%dma_start3A_63 : memref<320xi32, #tpu.memory_space<vmem>>) semaphore(%arg37 : memref<!tpu.dma_semaphore, #tpu.memory_space<semaphore_mem>>)
    %dma_start3A_66 = arith.constant 1600 : i32
    %dma_start3A_67 = tpu.memref_slice %arg28[%dma_start3A_66] : memref<5120xf32, #tpu.memory_space<vmem>> -> memref<320xf32, #tpu.memory_space<vmem>>
    %dma_start3A_68 = arith.constant 1600 : i32
    %dma_start3A_69 = tpu.memref_slice %arg27[%dma_start3A_68] : memref<5120xi32, #tpu.memory_space<vmem>> -> memref<320xi32, #tpu.memory_space<vmem>>
    %dma_start3A_70 = arith.constant 0 : i32
    %dma_start3A_71 = tpu.memref_slice %arg5[%dma_start3A_70] : memref<5120000xf32, #tpu.memory_space<hbm>> -> memref<5120000xf32, #tpu.memory_space<hbm>>
    tpu.enqueue_indirect_dma source(%dma_start3A_71 : memref<5120000xf32, #tpu.memory_space<hbm>>) target(%dma_start3A_67 : memref<320xf32, #tpu.memory_space<vmem>>) offsets(%dma_start3A_69 : memref<320xi32, #tpu.memory_space<vmem>>) semaphore(%arg37 : memref<!tpu.dma_semaphore, #tpu.memory_space<semaphore_mem>>)
    %dma_start3A_72 = arith.constant 1920 : i32
    %dma_start3A_73 = tpu.memref_slice %arg28[%dma_start3A_72] : memref<5120xf32, #tpu.memory_space<vmem>> -> memref<320xf32, #tpu.memory_space<vmem>>
    %dma_start3A_74 = arith.constant 1920 : i32
    %dma_start3A_75 = tpu.memref_slice %arg27[%dma_start3A_74] : memref<5120xi32, #tpu.memory_space<vmem>> -> memref<320xi32, #tpu.memory_space<vmem>>
    %dma_start3A_76 = arith.constant 0 : i32
    %dma_start3A_77 = tpu.memref_slice %arg5[%dma_start3A_76] : memref<5120000xf32, #tpu.memory_space<hbm>> -> memref<5120000xf32, #tpu.memory_space<hbm>>
    tpu.enqueue_indirect_dma source(%dma_start3A_77 : memref<5120000xf32, #tpu.memory_space<hbm>>) target(%dma_start3A_73 : memref<320xf32, #tpu.memory_space<vmem>>) offsets(%dma_start3A_75 : memref<320xi32, #tpu.memory_space<vmem>>) semaphore(%arg37 : memref<!tpu.dma_semaphore, #tpu.memory_space<semaphore_mem>>)
    %dma_start3A_78 = arith.constant 2240 : i32
    %dma_start3A_79 = tpu.memref_slice %arg28[%dma_start3A_78] : memref<5120xf32, #tpu.memory_space<vmem>> -> memref<320xf32, #tpu.memory_space<vmem>>
    %dma_start3A_80 = arith.constant 2240 : i32
    %dma_start3A_81 = tpu.memref_slice %arg27[%dma_start3A_80] : memref<5120xi32, #tpu.memory_space<vmem>> -> memref<320xi32, #tpu.memory_space<vmem>>
    %dma_start3A_82 = arith.constant 0 : i32
    %dma_start3A_83 = tpu.memref_slice %arg5[%dma_start3A_82] : memref<5120000xf32, #tpu.memory_space<hbm>> -> memref<5120000xf32, #tpu.memory_space<hbm>>
    tpu.enqueue_indirect_dma source(%dma_start3A_83 : memref<5120000xf32, #tpu.memory_space<hbm>>) target(%dma_start3A_79 : memref<320xf32, #tpu.memory_space<vmem>>) offsets(%dma_start3A_81 : memref<320xi32, #tpu.memory_space<vmem>>) semaphore(%arg37 : memref<!tpu.dma_semaphore, #tpu.memory_space<semaphore_mem>>)
    %dma_start3A_84 = arith.constant 2560 : i32
    %dma_start3A_85 = tpu.memref_slice %arg28[%dma_start3A_84] : memref<5120xf32, #tpu.memory_space<vmem>> -> memref<320xf32, #tpu.memory_space<vmem>>
    %dma_start3A_86 = arith.constant 2560 : i32
    %dma_start3A_87 = tpu.memref_slice %arg27[%dma_start3A_86] : memref<5120xi32, #tpu.memory_space<vmem>> -> memref<320xi32, #tpu.memory_space<vmem>>
    %dma_start3A_88 = arith.constant 0 : i32
    %dma_start3A_89 = tpu.memref_slice %arg5[%dma_start3A_88] : memref<5120000xf32, #tpu.memory_space<hbm>> -> memref<5120000xf32, #tpu.memory_space<hbm>>
    tpu.enqueue_indirect_dma source(%dma_start3A_89 : memref<5120000xf32, #tpu.memory_space<hbm>>) target(%dma_start3A_85 : memref<320xf32, #tpu.memory_space<vmem>>) offsets(%dma_start3A_87 : memref<320xi32, #tpu.memory_space<vmem>>) semaphore(%arg37 : memref<!tpu.dma_semaphore, #tpu.memory_space<semaphore_mem>>)
    %dma_start3A_90 = arith.constant 2880 : i32
    %dma_start3A_91 = tpu.memref_slice %arg28[%dma_start3A_90] : memref<5120xf32, #tpu.memory_space<vmem>> -> memref<320xf32, #tpu.memory_space<vmem>>
    %dma_start3A_92 = arith.constant 2880 : i32
    %dma_start3A_93 = tpu.memref_slice %arg27[%dma_start3A_92] : memref<5120xi32, #tpu.memory_space<vmem>> -> memref<320xi32, #tpu.memory_space<vmem>>
    %dma_start3A_94 = arith.constant 0 : i32
    %dma_start3A_95 = tpu.memref_slice %arg5[%dma_start3A_94] : memref<5120000xf32, #tpu.memory_space<hbm>> -> memref<5120000xf32, #tpu.memory_space<hbm>>
    tpu.enqueue_indirect_dma source(%dma_start3A_95 : memref<5120000xf32, #tpu.memory_space<hbm>>) target(%dma_start3A_91 : memref<320xf32, #tpu.memory_space<vmem>>) offsets(%dma_start3A_93 : memref<320xi32, #tpu.memory_space<vmem>>) semaphore(%arg37 : memref<!tpu.dma_semaphore, #tpu.memory_space<semaphore_mem>>)
    %dma_start3A_96 = arith.constant 3200 : i32
    %dma_start3A_97 = tpu.memref_slice %arg28[%dma_start3A_96] : memref<5120xf32, #tpu.memory_space<vmem>> -> memref<320xf32, #tpu.memory_space<vmem>>
    %dma_start3A_98 = arith.constant 3200 : i32
    %dma_start3A_99 = tpu.memref_slice %arg27[%dma_start3A_98] : memref<5120xi32, #tpu.memory_space<vmem>> -> memref<320xi32, #tpu.memory_space<vmem>>
    %dma_start3A_100 = arith.constant 0 : i32
    %dma_start3A_101 = tpu.memref_slice %arg5[%dma_start3A_100] : memref<5120000xf32, #tpu.memory_space<hbm>> -> memref<5120000xf32, #tpu.memory_space<hbm>>
    tpu.enqueue_indirect_dma source(%dma_start3A_101 : memref<5120000xf32, #tpu.memory_space<hbm>>) target(%dma_start3A_97 : memref<320xf32, #tpu.memory_space<vmem>>) offsets(%dma_start3A_99 : memref<320xi32, #tpu.memory_space<vmem>>) semaphore(%arg37 : memref<!tpu.dma_semaphore, #tpu.memory_space<semaphore_mem>>)
    %dma_start3A_102 = arith.constant 3520 : i32
    %dma_start3A_103 = tpu.memref_slice %arg28[%dma_start3A_102] : memref<5120xf32, #tpu.memory_space<vmem>> -> memref<320xf32, #tpu.memory_space<vmem>>
    %dma_start3A_104 = arith.constant 3520 : i32
    %dma_start3A_105 = tpu.memref_slice %arg27[%dma_start3A_104] : memref<5120xi32, #tpu.memory_space<vmem>> -> memref<320xi32, #tpu.memory_space<vmem>>
    %dma_start3A_106 = arith.constant 0 : i32
    %dma_start3A_107 = tpu.memref_slice %arg5[%dma_start3A_106] : memref<5120000xf32, #tpu.memory_space<hbm>> -> memref<5120000xf32, #tpu.memory_space<hbm>>
    tpu.enqueue_indirect_dma source(%dma_start3A_107 : memref<5120000xf32, #tpu.memory_space<hbm>>) target(%dma_start3A_103 : memref<320xf32, #tpu.memory_space<vmem>>) offsets(%dma_start3A_105 : memref<320xi32, #tpu.memory_space<vmem>>) semaphore(%arg37 : memref<!tpu.dma_semaphore, #tpu.memory_space<semaphore_mem>>)
    %dma_start3A_108 = arith.constant 3840 : i32
    %dma_start3A_109 = tpu.memref_slice %arg28[%dma_start3A_108] : memref<5120xf32, #tpu.memory_space<vmem>> -> memref<320xf32, #tpu.memory_space<vmem>>
    %dma_start3A_110 = arith.constant 3840 : i32
    %dma_start3A_111 = tpu.memref_slice %arg27[%dma_start3A_110] : memref<5120xi32, #tpu.memory_space<vmem>> -> memref<320xi32, #tpu.memory_space<vmem>>
    %dma_start3A_112 = arith.constant 0 : i32
    %dma_start3A_113 = tpu.memref_slice %arg5[%dma_start3A_112] : memref<5120000xf32, #tpu.memory_space<hbm>> -> memref<5120000xf32, #tpu.memory_space<hbm>>
    tpu.enqueue_indirect_dma source(%dma_start3A_113 : memref<5120000xf32, #tpu.memory_space<hbm>>) target(%dma_start3A_109 : memref<320xf32, #tpu.memory_space<vmem>>) offsets(%dma_start3A_111 : memref<320xi32, #tpu.memory_space<vmem>>) semaphore(%arg37 : memref<!tpu.dma_semaphore, #tpu.memory_space<semaphore_mem>>)
    %dma_start3A_114 = arith.constant 4160 : i32
    %dma_start3A_115 = tpu.memref_slice %arg28[%dma_start3A_114] : memref<5120xf32, #tpu.memory_space<vmem>> -> memref<320xf32, #tpu.memory_space<vmem>>
    %dma_start3A_116 = arith.constant 4160 : i32
    %dma_start3A_117 = tpu.memref_slice %arg27[%dma_start3A_116] : memref<5120xi32, #tpu.memory_space<vmem>> -> memref<320xi32, #tpu.memory_space<vmem>>
    %dma_start3A_118 = arith.constant 0 : i32
    %dma_start3A_119 = tpu.memref_slice %arg5[%dma_start3A_118] : memref<5120000xf32, #tpu.memory_space<hbm>> -> memref<5120000xf32, #tpu.memory_space<hbm>>
    tpu.enqueue_indirect_dma source(%dma_start3A_119 : memref<5120000xf32, #tpu.memory_space<hbm>>) target(%dma_start3A_115 : memref<320xf32, #tpu.memory_space<vmem>>) offsets(%dma_start3A_117 : memref<320xi32, #tpu.memory_space<vmem>>) semaphore(%arg37 : memref<!tpu.dma_semaphore, #tpu.memory_space<semaphore_mem>>)
    %dma_start3A_120 = arith.constant 4480 : i32
    %dma_start3A_121 = tpu.memref_slice %arg28[%dma_start3A_120] : memref<5120xf32, #tpu.memory_space<vmem>> -> memref<320xf32, #tpu.memory_space<vmem>>
    %dma_start3A_122 = arith.constant 4480 : i32
    %dma_start3A_123 = tpu.memref_slice %arg27[%dma_start3A_122] : memref<5120xi32, #tpu.memory_space<vmem>> -> memref<320xi32, #tpu.memory_space<vmem>>
    %dma_start3A_124 = arith.constant 0 : i32
    %dma_start3A_125 = tpu.memref_slice %arg5[%dma_start3A_124] : memref<5120000xf32, #tpu.memory_space<hbm>> -> memref<5120000xf32, #tpu.memory_space<hbm>>
    tpu.enqueue_indirect_dma source(%dma_start3A_125 : memref<5120000xf32, #tpu.memory_space<hbm>>) target(%dma_start3A_121 : memref<320xf32, #tpu.memory_space<vmem>>) offsets(%dma_start3A_123 : memref<320xi32, #tpu.memory_space<vmem>>) semaphore(%arg37 : memref<!tpu.dma_semaphore, #tpu.memory_space<semaphore_mem>>)
    %dma_start3A_126 = arith.constant 4800 : i32
    %dma_start3A_127 = tpu.memref_slice %arg28[%dma_start3A_126] : memref<5120xf32, #tpu.memory_space<vmem>> -> memref<320xf32, #tpu.memory_space<vmem>>
    %dma_start3A_128 = arith.constant 4800 : i32
    %dma_start3A_129 = tpu.memref_slice %arg27[%dma_start3A_128] : memref<5120xi32, #tpu.memory_space<vmem>> -> memref<320xi32, #tpu.memory_space<vmem>>
    %dma_start3A_130 = arith.constant 0 : i32
    %dma_start3A_131 = tpu.memref_slice %arg5[%dma_start3A_130] : memref<5120000xf32, #tpu.memory_space<hbm>> -> memref<5120000xf32, #tpu.memory_space<hbm>>
    tpu.enqueue_indirect_dma source(%dma_start3A_131 : memref<5120000xf32, #tpu.memory_space<hbm>>) target(%dma_start3A_127 : memref<320xf32, #tpu.memory_space<vmem>>) offsets(%dma_start3A_129 : memref<320xi32, #tpu.memory_space<vmem>>) semaphore(%arg37 : memref<!tpu.dma_semaphore, #tpu.memory_space<semaphore_mem>>)
    %dma_start3A_132 = arith.constant 0 : i32
    %dma_start3A_133 = tpu.memref_slice %arg4[%dma_start3A_132] : memref<320000xi32, #tpu.memory_space<hbm>> -> memref<320000xi32, #tpu.memory_space<hbm>>
    tpu.enqueue_indirect_dma source(%dma_start3A_133 : memref<320000xi32, #tpu.memory_space<hbm>>) target(%arg19 : memref<320xi32, #tpu.memory_space<vmem>>) offsets(%arg18 : memref<320xi32, #tpu.memory_space<vmem>>) semaphore(%arg34 : memref<!tpu.dma_semaphore, #tpu.memory_space<semaphore_mem>>)
    %dma_wait3A = arith.constant 0 : i32
    %dma_wait3A_134 = tpu.memref_slice %arg4[%dma_wait3A] : memref<320000xi32, #tpu.memory_space<hbm>> -> memref<320000xi32, #tpu.memory_space<hbm>>
    tpu.wait_indirect_dma semaphore(%arg34 : memref<!tpu.dma_semaphore, #tpu.memory_space<semaphore_mem>>) src(%dma_wait3A_134 : memref<320000xi32, #tpu.memory_space<hbm>>) dst(%arg19 : memref<320xi32, #tpu.memory_space<vmem>>)
    %dma_start3A_135 = arith.constant 0 : i32
    %dma_start3A_136 = tpu.memref_slice %arg6[%dma_start3A_135] : memref<10240xi32, #tpu.memory_space<hbm>> -> memref<10240xi32, #tpu.memory_space<hbm>>
    tpu.enqueue_indirect_dma source(%dma_start3A_136 : memref<10240xi32, #tpu.memory_space<hbm>>) target(%arg20 : memref<320xi32, #tpu.memory_space<vmem>>) offsets(%arg19 : memref<320xi32, #tpu.memory_space<vmem>>) semaphore(%arg34 : memref<!tpu.dma_semaphore, #tpu.memory_space<semaphore_mem>>)
    %dma_wait3A_137 = arith.constant 0 : i32
    %dma_wait3A_138 = tpu.memref_slice %arg6[%dma_wait3A_137] : memref<10240xi32, #tpu.memory_space<hbm>> -> memref<10240xi32, #tpu.memory_space<hbm>>
    tpu.wait_indirect_dma semaphore(%arg34 : memref<!tpu.dma_semaphore, #tpu.memory_space<semaphore_mem>>) src(%dma_wait3A_138 : memref<10240xi32, #tpu.memory_space<hbm>>) dst(%arg20 : memref<320xi32, #tpu.memory_space<vmem>>)
    %dma_start3A_139 = arith.constant 0 : i32
    %dma_start3A_140 = tpu.memref_slice %arg7[%dma_start3A_139] : memref<100000xf32, #tpu.memory_space<hbm>> -> memref<100000xf32, #tpu.memory_space<hbm>>
    tpu.enqueue_indirect_dma source(%dma_start3A_140 : memref<100000xf32, #tpu.memory_space<hbm>>) target(%arg21 : memref<320xf32, #tpu.memory_space<vmem>>) offsets(%arg20 : memref<320xi32, #tpu.memory_space<vmem>>) semaphore(%arg35 : memref<!tpu.dma_semaphore, #tpu.memory_space<semaphore_mem>>)
    %dma_start3A_141 = arith.constant 0 : i32
    %dma_start3A_142 = arith.constant 0 : i32
    %dma_start3A_143 = tpu.memref_slice %arg8[%dma_start3A_141, %dma_start3A_142] : memref<100000x128xf32, #tpu.memory_space<hbm>> -> memref<100000x128xf32, #tpu.memory_space<hbm>>
    tpu.enqueue_indirect_dma source(%dma_start3A_143 : memref<100000x128xf32, #tpu.memory_space<hbm>>) target(%arg29 : memref<320x128xf32, #tpu.memory_space<vmem>>) offsets(%arg20 : memref<320xi32, #tpu.memory_space<vmem>>) semaphore(%arg36 : memref<!tpu.dma_semaphore, #tpu.memory_space<semaphore_mem>>)
    %dma_wait3A_144 = arith.constant 0 : i32
    %dma_wait3A_145 = tpu.memref_slice %arg7[%dma_wait3A_144] : memref<100000xf32, #tpu.memory_space<hbm>> -> memref<100000xf32, #tpu.memory_space<hbm>>
    tpu.wait_indirect_dma semaphore(%arg35 : memref<!tpu.dma_semaphore, #tpu.memory_space<semaphore_mem>>) src(%dma_wait3A_145 : memref<100000xf32, #tpu.memory_space<hbm>>) dst(%arg21 : memref<320xf32, #tpu.memory_space<vmem>>)
    %dma_wait3A_146 = arith.constant 0 : i32
    %dma_wait3A_147 = tpu.memref_slice %arg7[%dma_wait3A_146] : memref<100000xf32, #tpu.memory_space<hbm>> -> memref<100000xf32, #tpu.memory_space<hbm>>
    tpu.wait_indirect_dma semaphore(%arg32 : memref<!tpu.dma_semaphore, #tpu.memory_space<semaphore_mem>>) src(%dma_wait3A_147 : memref<100000xf32, #tpu.memory_space<hbm>>) dst(%arg23 : memref<320xf32, #tpu.memory_space<vmem>>)
    %broadcast_in_dim3A = arith.constant 0xFF800000 : f32
    %broadcast_in_dim3A_148 = vector.broadcast %broadcast_in_dim3A : f32 to vector<16xf32>
    %broadcast_in_dim3A_149 = arith.constant 1.000000e+00 : f32
    %broadcast_in_dim3A_150 = vector.broadcast %broadcast_in_dim3A_149 : f32 to vector<16xf32>
    %broadcast_in_dim3A_151 = arith.constant 0.000000e+00 : f32
    %broadcast_in_dim3A_152 = vector.broadcast %broadcast_in_dim3A_151 : f32 to vector<16xf32>
    %scan3A_153 = arith.constant 0 : i32
    %scan3A_154 = arith.constant 0 : i32
    %scan3A_155 = arith.constant 20 : i32
    %scan3A_156 = arith.addi %scan3A_154, %scan3A_155 : i32
    %scan3A_157 = arith.constant 1 : i32
    scf.for %scan3A_295 = %scan3A_154 to %scan3A_156 step %scan3A_157  : i32 {
      %mul3A_296 = arith.constant 16 : i32
      %mul3A_297 = arith.muli %scan3A_295, %mul3A_296 : i32
      %get3A = arith.index_cast %mul3A_297 : i32 to index
      %get3A_298 = tpu.vector_load %arg14[%get3A] {strides = array<i32>} : memref<320xf32, #tpu.memory_space<vmem>>, vector<16xf32>,
      %eq3A = arith.cmpf oeq, %get3A_298, %broadcast_in_dim3A_148 : vector<16xf32>
      %get3A_299 = arith.index_cast %mul3A_297 : i32 to index
      %get3A_300 = tpu.vector_load %arg21[%get3A_299] {strides = array<i32>} : memref<320xf32, #tpu.memory_space<vmem>>, vector<16xf32>,
      %sub3A = arith.subf %get3A_298, %get3A_300 : vector<16xf32>
      %swap3A = arith.index_cast %mul3A_297 : i32 to index
      %swap3A_301 = tpu.vector_load %arg25[%swap3A] {strides = array<i32>} : memref<320xf32, #tpu.memory_space<vmem>>, vector<16xf32>,
      tpu.vector_store %arg25[%swap3A], %sub3A {strides = array<i32>} : memref<320xf32, #tpu.memory_space<vmem>>, vector<16xf32>,
      %select_n3A = arith.select %eq3A, %broadcast_in_dim3A_152, %broadcast_in_dim3A_150 : vector<16xi1>, vector<16xf32>
      %swap3A_302 = arith.index_cast %mul3A_297 : i32 to index
      %swap3A_303 = tpu.vector_load %arg26[%swap3A_302] {strides = array<i32>} : memref<320xf32, #tpu.memory_space<vmem>>, vector<16xf32>,
      tpu.vector_store %arg26[%swap3A_302], %select_n3A {strides = array<i32>} : memref<320xf32, #tpu.memory_space<vmem>>, vector<16xf32>,
      %get3A_304 = arith.index_cast %mul3A_297 : i32 to index
      %get3A_305 = tpu.vector_load %arg23[%get3A_304] {strides = array<i32>} : memref<320xf32, #tpu.memory_space<vmem>>, vector<16xf32>,
      %select_n3A_306 = arith.select %eq3A, %get3A_305, %get3A_298 : vector<16xi1>, vector<16xf32>
      %swap3A_307 = arith.index_cast %mul3A_297 : i32 to index
      %swap3A_308 = tpu.vector_load %arg24[%swap3A_307] {strides = array<i32>} : memref<320xf32, #tpu.memory_space<vmem>>, vector<16xf32>,
      tpu.vector_store %arg24[%swap3A_307], %select_n3A_306 {strides = array<i32>} : memref<320xf32, #tpu.memory_space<vmem>>, vector<16xf32>,
    }
    %scan3A_158 = arith.constant 20 : i32
    %dma_wait3A_159 = arith.constant 0 : i32
    %dma_wait3A_160 = arith.constant 0 : i32
    %dma_wait3A_161 = tpu.memref_slice %arg8[%dma_wait3A_159, %dma_wait3A_160] : memref<100000x128xf32, #tpu.memory_space<hbm>> -> memref<100000x128xf32, #tpu.memory_space<hbm>>
    tpu.wait_indirect_dma semaphore(%arg36 : memref<!tpu.dma_semaphore, #tpu.memory_space<semaphore_mem>>) src(%dma_wait3A_161 : memref<100000x128xf32, #tpu.memory_space<hbm>>) dst(%arg29 : memref<320x128xf32, #tpu.memory_space<vmem>>)
    %dma_wait3A_162 = arith.constant 0 : i32
    %dma_wait3A_163 = arith.constant 0 : i32
    %dma_wait3A_164 = tpu.memref_slice %arg8[%dma_wait3A_162, %dma_wait3A_163] : memref<100000x128xf32, #tpu.memory_space<hbm>> -> memref<100000x128xf32, #tpu.memory_space<hbm>>
    tpu.wait_indirect_dma semaphore(%arg33 : memref<!tpu.dma_semaphore, #tpu.memory_space<semaphore_mem>>) src(%dma_wait3A_164 : memref<100000x128xf32, #tpu.memory_space<hbm>>) dst(%arg30 : memref<320x128xf32, #tpu.memory_space<vmem>>)
    %dma_wait3A_165 = arith.constant 0 : i32
    %dma_wait3A_166 = tpu.memref_slice %arg28[%dma_wait3A_165] : memref<5120xf32, #tpu.memory_space<vmem>> -> memref<320xf32, #tpu.memory_space<vmem>>
    %dma_wait3A_167 = arith.constant 0 : i32
    %dma_wait3A_168 = tpu.memref_slice %arg27[%dma_wait3A_167] : memref<5120xi32, #tpu.memory_space<vmem>> -> memref<320xi32, #tpu.memory_space<vmem>>
    %dma_wait3A_169 = arith.constant 0 : i32
    %dma_wait3A_170 = tpu.memref_slice %arg5[%dma_wait3A_169] : memref<5120000xf32, #tpu.memory_space<hbm>> -> memref<5120000xf32, #tpu.memory_space<hbm>>
    tpu.wait_indirect_dma semaphore(%arg37 : memref<!tpu.dma_semaphore, #tpu.memory_space<semaphore_mem>>) src(%dma_wait3A_170 : memref<5120000xf32, #tpu.memory_space<hbm>>) dst(%dma_wait3A_166 : memref<320xf32, #tpu.memory_space<vmem>>)
    %dma_wait3A_171 = arith.constant 320 : i32
    %dma_wait3A_172 = tpu.memref_slice %arg28[%dma_wait3A_171] : memref<5120xf32, #tpu.memory_space<vmem>> -> memref<320xf32, #tpu.memory_space<vmem>>
    %dma_wait3A_173 = arith.constant 320 : i32
    %dma_wait3A_174 = tpu.memref_slice %arg27[%dma_wait3A_173] : memref<5120xi32, #tpu.memory_space<vmem>> -> memref<320xi32, #tpu.memory_space<vmem>>
    %dma_wait3A_175 = arith.constant 0 : i32
    %dma_wait3A_176 = tpu.memref_slice %arg5[%dma_wait3A_175] : memref<5120000xf32, #tpu.memory_space<hbm>> -> memref<5120000xf32, #tpu.memory_space<hbm>>
    tpu.wait_indirect_dma semaphore(%arg37 : memref<!tpu.dma_semaphore, #tpu.memory_space<semaphore_mem>>) src(%dma_wait3A_176 : memref<5120000xf32, #tpu.memory_space<hbm>>) dst(%dma_wait3A_172 : memref<320xf32, #tpu.memory_space<vmem>>)
    %dma_wait3A_177 = arith.constant 640 : i32
    %dma_wait3A_178 = tpu.memref_slice %arg28[%dma_wait3A_177] : memref<5120xf32, #tpu.memory_space<vmem>> -> memref<320xf32, #tpu.memory_space<vmem>>
    %dma_wait3A_179 = arith.constant 640 : i32
    %dma_wait3A_180 = tpu.memref_slice %arg27[%dma_wait3A_179] : memref<5120xi32, #tpu.memory_space<vmem>> -> memref<320xi32, #tpu.memory_space<vmem>>
    %dma_wait3A_181 = arith.constant 0 : i32
    %dma_wait3A_182 = tpu.memref_slice %arg5[%dma_wait3A_181] : memref<5120000xf32, #tpu.memory_space<hbm>> -> memref<5120000xf32, #tpu.memory_space<hbm>>
    tpu.wait_indirect_dma semaphore(%arg37 : memref<!tpu.dma_semaphore, #tpu.memory_space<semaphore_mem>>) src(%dma_wait3A_182 : memref<5120000xf32, #tpu.memory_space<hbm>>) dst(%dma_wait3A_178 : memref<320xf32, #tpu.memory_space<vmem>>)
    %dma_wait3A_183 = arith.constant 960 : i32
    %dma_wait3A_184 = tpu.memref_slice %arg28[%dma_wait3A_183] : memref<5120xf32, #tpu.memory_space<vmem>> -> memref<320xf32, #tpu.memory_space<vmem>>
    %dma_wait3A_185 = arith.constant 960 : i32
    %dma_wait3A_186 = tpu.memref_slice %arg27[%dma_wait3A_185] : memref<5120xi32, #tpu.memory_space<vmem>> -> memref<320xi32, #tpu.memory_space<vmem>>
    %dma_wait3A_187 = arith.constant 0 : i32
    %dma_wait3A_188 = tpu.memref_slice %arg5[%dma_wait3A_187] : memref<5120000xf32, #tpu.memory_space<hbm>> -> memref<5120000xf32, #tpu.memory_space<hbm>>
    tpu.wait_indirect_dma semaphore(%arg37 : memref<!tpu.dma_semaphore, #tpu.memory_space<semaphore_mem>>) src(%dma_wait3A_188 : memref<5120000xf32, #tpu.memory_space<hbm>>) dst(%dma_wait3A_184 : memref<320xf32, #tpu.memory_space<vmem>>)
    %dma_wait3A_189 = arith.constant 1280 : i32
    %dma_wait3A_190 = tpu.memref_slice %arg28[%dma_wait3A_189] : memref<5120xf32, #tpu.memory_space<vmem>> -> memref<320xf32, #tpu.memory_space<vmem>>
    %dma_wait3A_191 = arith.constant 1280 : i32
    %dma_wait3A_192 = tpu.memref_slice %arg27[%dma_wait3A_191] : memref<5120xi32, #tpu.memory_space<vmem>> -> memref<320xi32, #tpu.memory_space<vmem>>
    %dma_wait3A_193 = arith.constant 0 : i32
    %dma_wait3A_194 = tpu.memref_slice %arg5[%dma_wait3A_193] : memref<5120000xf32, #tpu.memory_space<hbm>> -> memref<5120000xf32, #tpu.memory_space<hbm>>
    tpu.wait_indirect_dma semaphore(%arg37 : memref<!tpu.dma_semaphore, #tpu.memory_space<semaphore_mem>>) src(%dma_wait3A_194 : memref<5120000xf32, #tpu.memory_space<hbm>>) dst(%dma_wait3A_190 : memref<320xf32, #tpu.memory_space<vmem>>)
    %dma_wait3A_195 = arith.constant 1600 : i32
    %dma_wait3A_196 = tpu.memref_slice %arg28[%dma_wait3A_195] : memref<5120xf32, #tpu.memory_space<vmem>> -> memref<320xf32, #tpu.memory_space<vmem>>
    %dma_wait3A_197 = arith.constant 1600 : i32
    %dma_wait3A_198 = tpu.memref_slice %arg27[%dma_wait3A_197] : memref<5120xi32, #tpu.memory_space<vmem>> -> memref<320xi32, #tpu.memory_space<vmem>>
    %dma_wait3A_199 = arith.constant 0 : i32
    %dma_wait3A_200 = tpu.memref_slice %arg5[%dma_wait3A_199] : memref<5120000xf32, #tpu.memory_space<hbm>> -> memref<5120000xf32, #tpu.memory_space<hbm>>
    tpu.wait_indirect_dma semaphore(%arg37 : memref<!tpu.dma_semaphore, #tpu.memory_space<semaphore_mem>>) src(%dma_wait3A_200 : memref<5120000xf32, #tpu.memory_space<hbm>>) dst(%dma_wait3A_196 : memref<320xf32, #tpu.memory_space<vmem>>)
    %dma_wait3A_201 = arith.constant 1920 : i32
    %dma_wait3A_202 = tpu.memref_slice %arg28[%dma_wait3A_201] : memref<5120xf32, #tpu.memory_space<vmem>> -> memref<320xf32, #tpu.memory_space<vmem>>
    %dma_wait3A_203 = arith.constant 1920 : i32
    %dma_wait3A_204 = tpu.memref_slice %arg27[%dma_wait3A_203] : memref<5120xi32, #tpu.memory_space<vmem>> -> memref<320xi32, #tpu.memory_space<vmem>>
    %dma_wait3A_205 = arith.constant 0 : i32
    %dma_wait3A_206 = tpu.memref_slice %arg5[%dma_wait3A_205] : memref<5120000xf32, #tpu.memory_space<hbm>> -> memref<5120000xf32, #tpu.memory_space<hbm>>
    tpu.wait_indirect_dma semaphore(%arg37 : memref<!tpu.dma_semaphore, #tpu.memory_space<semaphore_mem>>) src(%dma_wait3A_206 : memref<5120000xf32, #tpu.memory_space<hbm>>) dst(%dma_wait3A_202 : memref<320xf32, #tpu.memory_space<vmem>>)
    %dma_wait3A_207 = arith.constant 2240 : i32
    %dma_wait3A_208 = tpu.memref_slice %arg28[%dma_wait3A_207] : memref<5120xf32, #tpu.memory_space<vmem>> -> memref<320xf32, #tpu.memory_space<vmem>>
    %dma_wait3A_209 = arith.constant 2240 : i32
    %dma_wait3A_210 = tpu.memref_slice %arg27[%dma_wait3A_209] : memref<5120xi32, #tpu.memory_space<vmem>> -> memref<320xi32, #tpu.memory_space<vmem>>
    %dma_wait3A_211 = arith.constant 0 : i32
    %dma_wait3A_212 = tpu.memref_slice %arg5[%dma_wait3A_211] : memref<5120000xf32, #tpu.memory_space<hbm>> -> memref<5120000xf32, #tpu.memory_space<hbm>>
    tpu.wait_indirect_dma semaphore(%arg37 : memref<!tpu.dma_semaphore, #tpu.memory_space<semaphore_mem>>) src(%dma_wait3A_212 : memref<5120000xf32, #tpu.memory_space<hbm>>) dst(%dma_wait3A_208 : memref<320xf32, #tpu.memory_space<vmem>>)
    %dma_wait3A_213 = arith.constant 2560 : i32
    %dma_wait3A_214 = tpu.memref_slice %arg28[%dma_wait3A_213] : memref<5120xf32, #tpu.memory_space<vmem>> -> memref<320xf32, #tpu.memory_space<vmem>>
    %dma_wait3A_215 = arith.constant 2560 : i32
    %dma_wait3A_216 = tpu.memref_slice %arg27[%dma_wait3A_215] : memref<5120xi32, #tpu.memory_space<vmem>> -> memref<320xi32, #tpu.memory_space<vmem>>
    %dma_wait3A_217 = arith.constant 0 : i32
    %dma_wait3A_218 = tpu.memref_slice %arg5[%dma_wait3A_217] : memref<5120000xf32, #tpu.memory_space<hbm>> -> memref<5120000xf32, #tpu.memory_space<hbm>>
    tpu.wait_indirect_dma semaphore(%arg37 : memref<!tpu.dma_semaphore, #tpu.memory_space<semaphore_mem>>) src(%dma_wait3A_218 : memref<5120000xf32, #tpu.memory_space<hbm>>) dst(%dma_wait3A_214 : memref<320xf32, #tpu.memory_space<vmem>>)
    %dma_wait3A_219 = arith.constant 2880 : i32
    %dma_wait3A_220 = tpu.memref_slice %arg28[%dma_wait3A_219] : memref<5120xf32, #tpu.memory_space<vmem>> -> memref<320xf32, #tpu.memory_space<vmem>>
    %dma_wait3A_221 = arith.constant 2880 : i32
    %dma_wait3A_222 = tpu.memref_slice %arg27[%dma_wait3A_221] : memref<5120xi32, #tpu.memory_space<vmem>> -> memref<320xi32, #tpu.memory_space<vmem>>
    %dma_wait3A_223 = arith.constant 0 : i32
    %dma_wait3A_224 = tpu.memref_slice %arg5[%dma_wait3A_223] : memref<5120000xf32, #tpu.memory_space<hbm>> -> memref<5120000xf32, #tpu.memory_space<hbm>>
    tpu.wait_indirect_dma semaphore(%arg37 : memref<!tpu.dma_semaphore, #tpu.memory_space<semaphore_mem>>) src(%dma_wait3A_224 : memref<5120000xf32, #tpu.memory_space<hbm>>) dst(%dma_wait3A_220 : memref<320xf32, #tpu.memory_space<vmem>>)
    %dma_wait3A_225 = arith.constant 3200 : i32
    %dma_wait3A_226 = tpu.memref_slice %arg28[%dma_wait3A_225] : memref<5120xf32, #tpu.memory_space<vmem>> -> memref<320xf32, #tpu.memory_space<vmem>>
    %dma_wait3A_227 = arith.constant 3200 : i32
    %dma_wait3A_228 = tpu.memref_slice %arg27[%dma_wait3A_227] : memref<5120xi32, #tpu.memory_space<vmem>> -> memref<320xi32, #tpu.memory_space<vmem>>
    %dma_wait3A_229 = arith.constant 0 : i32
    %dma_wait3A_230 = tpu.memref_slice %arg5[%dma_wait3A_229] : memref<5120000xf32, #tpu.memory_space<hbm>> -> memref<5120000xf32, #tpu.memory_space<hbm>>
    tpu.wait_indirect_dma semaphore(%arg37 : memref<!tpu.dma_semaphore, #tpu.memory_space<semaphore_mem>>) src(%dma_wait3A_230 : memref<5120000xf32, #tpu.memory_space<hbm>>) dst(%dma_wait3A_226 : memref<320xf32, #tpu.memory_space<vmem>>)
    %dma_wait3A_231 = arith.constant 3520 : i32
    %dma_wait3A_232 = tpu.memref_slice %arg28[%dma_wait3A_231] : memref<5120xf32, #tpu.memory_space<vmem>> -> memref<320xf32, #tpu.memory_space<vmem>>
    %dma_wait3A_233 = arith.constant 3520 : i32
    %dma_wait3A_234 = tpu.memref_slice %arg27[%dma_wait3A_233] : memref<5120xi32, #tpu.memory_space<vmem>> -> memref<320xi32, #tpu.memory_space<vmem>>
    %dma_wait3A_235 = arith.constant 0 : i32
    %dma_wait3A_236 = tpu.memref_slice %arg5[%dma_wait3A_235] : memref<5120000xf32, #tpu.memory_space<hbm>> -> memref<5120000xf32, #tpu.memory_space<hbm>>
    tpu.wait_indirect_dma semaphore(%arg37 : memref<!tpu.dma_semaphore, #tpu.memory_space<semaphore_mem>>) src(%dma_wait3A_236 : memref<5120000xf32, #tpu.memory_space<hbm>>) dst(%dma_wait3A_232 : memref<320xf32, #tpu.memory_space<vmem>>)
    %dma_wait3A_237 = arith.constant 3840 : i32
    %dma_wait3A_238 = tpu.memref_slice %arg28[%dma_wait3A_237] : memref<5120xf32, #tpu.memory_space<vmem>> -> memref<320xf32, #tpu.memory_space<vmem>>
    %dma_wait3A_239 = arith.constant 3840 : i32
    %dma_wait3A_240 = tpu.memref_slice %arg27[%dma_wait3A_239] : memref<5120xi32, #tpu.memory_space<vmem>> -> memref<320xi32, #tpu.memory_space<vmem>>
    %dma_wait3A_241 = arith.constant 0 : i32
    %dma_wait3A_242 = tpu.memref_slice %arg5[%dma_wait3A_241] : memref<5120000xf32, #tpu.memory_space<hbm>> -> memref<5120000xf32, #tpu.memory_space<hbm>>
    tpu.wait_indirect_dma semaphore(%arg37 : memref<!tpu.dma_semaphore, #tpu.memory_space<semaphore_mem>>) src(%dma_wait3A_242 : memref<5120000xf32, #tpu.memory_space<hbm>>) dst(%dma_wait3A_238 : memref<320xf32, #tpu.memory_space<vmem>>)
    %dma_wait3A_243 = arith.constant 4160 : i32
    %dma_wait3A_244 = tpu.memref_slice %arg28[%dma_wait3A_243] : memref<5120xf32, #tpu.memory_space<vmem>> -> memref<320xf32, #tpu.memory_space<vmem>>
    %dma_wait3A_245 = arith.constant 4160 : i32
    %dma_wait3A_246 = tpu.memref_slice %arg27[%dma_wait3A_245] : memref<5120xi32, #tpu.memory_space<vmem>> -> memref<320xi32, #tpu.memory_space<vmem>>
    %dma_wait3A_247 = arith.constant 0 : i32
    %dma_wait3A_248 = tpu.memref_slice %arg5[%dma_wait3A_247] : memref<5120000xf32, #tpu.memory_space<hbm>> -> memref<5120000xf32, #tpu.memory_space<hbm>>
    tpu.wait_indirect_dma semaphore(%arg37 : memref<!tpu.dma_semaphore, #tpu.memory_space<semaphore_mem>>) src(%dma_wait3A_248 : memref<5120000xf32, #tpu.memory_space<hbm>>) dst(%dma_wait3A_244 : memref<320xf32, #tpu.memory_space<vmem>>)
    %dma_wait3A_249 = arith.constant 4480 : i32
    %dma_wait3A_250 = tpu.memref_slice %arg28[%dma_wait3A_249] : memref<5120xf32, #tpu.memory_space<vmem>> -> memref<320xf32, #tpu.memory_space<vmem>>
    %dma_wait3A_251 = arith.constant 4480 : i32
    %dma_wait3A_252 = tpu.memref_slice %arg27[%dma_wait3A_251] : memref<5120xi32, #tpu.memory_space<vmem>> -> memref<320xi32, #tpu.memory_space<vmem>>
    %dma_wait3A_253 = arith.constant 0 : i32
    %dma_wait3A_254 = tpu.memref_slice %arg5[%dma_wait3A_253] : memref<5120000xf32, #tpu.memory_space<hbm>> -> memref<5120000xf32, #tpu.memory_space<hbm>>
    tpu.wait_indirect_dma semaphore(%arg37 : memref<!tpu.dma_semaphore, #tpu.memory_space<semaphore_mem>>) src(%dma_wait3A_254 : memref<5120000xf32, #tpu.memory_space<hbm>>) dst(%dma_wait3A_250 : memref<320xf32, #tpu.memory_space<vmem>>)
    %dma_wait3A_255 = arith.constant 4800 : i32
    %dma_wait3A_256 = tpu.memref_slice %arg28[%dma_wait3A_255] : memref<5120xf32, #tpu.memory_space<vmem>> -> memref<320xf32, #tpu.memory_space<vmem>>
    %dma_wait3A_257 = arith.constant 4800 : i32
    %dma_wait3A_258 = tpu.memref_slice %arg27[%dma_wait3A_257] : memref<5120xi32, #tpu.memory_space<vmem>> -> memref<320xi32, #tpu.memory_space<vmem>>
    %dma_wait3A_259 = arith.constant 0 : i32
    %dma_wait3A_260 = tpu.memref_slice %arg5[%dma_wait3A_259] : memref<5120000xf32, #tpu.memory_space<hbm>> -> memref<5120000xf32, #tpu.memory_space<hbm>>
    tpu.wait_indirect_dma semaphore(%arg37 : memref<!tpu.dma_semaphore, #tpu.memory_space<semaphore_mem>>) src(%dma_wait3A_260 : memref<5120000xf32, #tpu.memory_space<hbm>>) dst(%dma_wait3A_256 : memref<320xf32, #tpu.memory_space<vmem>>)
    "tpu.region"() ({
      %run_scoped3A = tpu.sem_alloc : memref<!tpu.dma_semaphore, #tpu.memory_space<semaphore_mem>>
      %dma_start3A_295 = tpu.memref_slice %arg9[%mul3A_2] : memref<10240xf32, #tpu.memory_space<hbm>> -> memref<320xf32, #tpu.memory_space<hbm>>
      %dma_start3A_296 = tpu.memref_slice %arg9[%mul3A_2] : memref<10240xf32, #tpu.memory_space<hbm>> -> memref<320xf32, #tpu.memory_space<hbm>>
      tpu.enqueue_dma source(%arg24 : memref<320xf32, #tpu.memory_space<vmem>>) target(%dma_start3A_296 : memref<320xf32, #tpu.memory_space<hbm>>) target_semaphore(%run_scoped3A : memref<!tpu.dma_semaphore, #tpu.memory_space<semaphore_mem>>)
      %dma_wait3A_297 = tpu.memref_slice %arg9[%mul3A_2] : memref<10240xf32, #tpu.memory_space<hbm>> -> memref<320xf32, #tpu.memory_space<hbm>>
      %dma_wait3A_298 = tpu.memref_slice %arg9[%mul3A_2] : memref<10240xf32, #tpu.memory_space<hbm>> -> memref<320xf32, #tpu.memory_space<hbm>>
      tpu.wait_dma2 semaphore(%run_scoped3A : memref<!tpu.dma_semaphore, #tpu.memory_space<semaphore_mem>>) src(%arg24 : memref<320xf32, #tpu.memory_space<vmem>>) dst(%dma_wait3A_298 : memref<320xf32, #tpu.memory_space<hbm>>)
      tpu.yield
    }) : () -> ()
    "tpu.region"() ({
      %run_scoped3A = tpu.sem_alloc : memref<!tpu.dma_semaphore, #tpu.memory_space<semaphore_mem>>
      %dma_start3A_295 = tpu.memref_slice %arg10[%mul3A_2] : memref<20480xf32, #tpu.memory_space<hbm>> -> memref<320xf32, #tpu.memory_space<hbm>>
      %dma_start3A_296 = tpu.memref_slice %arg10[%mul3A_2] : memref<20480xf32, #tpu.memory_space<hbm>> -> memref<320xf32, #tpu.memory_space<hbm>>
      tpu.enqueue_dma source(%arg25 : memref<320xf32, #tpu.memory_space<vmem>>) target(%dma_start3A_296 : memref<320xf32, #tpu.memory_space<hbm>>) target_semaphore(%run_scoped3A : memref<!tpu.dma_semaphore, #tpu.memory_space<semaphore_mem>>)
      %dma_wait3A_297 = tpu.memref_slice %arg10[%mul3A_2] : memref<20480xf32, #tpu.memory_space<hbm>> -> memref<320xf32, #tpu.memory_space<hbm>>
      %dma_wait3A_298 = tpu.memref_slice %arg10[%mul3A_2] : memref<20480xf32, #tpu.memory_space<hbm>> -> memref<320xf32, #tpu.memory_space<hbm>>
      tpu.wait_dma2 semaphore(%run_scoped3A : memref<!tpu.dma_semaphore, #tpu.memory_space<semaphore_mem>>) src(%arg25 : memref<320xf32, #tpu.memory_space<vmem>>) dst(%dma_wait3A_298 : memref<320xf32, #tpu.memory_space<hbm>>)
      tpu.yield
    }) : () -> ()
    %add3A_261 = arith.constant 10240 : i32
    %add3A_262 = arith.addi %add3A_261, %mul3A_2 : i32
    "tpu.region"() ({
      %run_scoped3A = tpu.sem_alloc : memref<!tpu.dma_semaphore, #tpu.memory_space<semaphore_mem>>
      %dma_start3A_295 = tpu.memref_slice %arg10[%add3A_262] : memref<20480xf32, #tpu.memory_space<hbm>> -> memref<320xf32, #tpu.memory_space<hbm>>
      %dma_start3A_296 = tpu.memref_slice %arg10[%add3A_262] : memref<20480xf32, #tpu.memory_space<hbm>> -> memref<320xf32, #tpu.memory_space<hbm>>
      tpu.enqueue_dma source(%arg26 : memref<320xf32, #tpu.memory_space<vmem>>) target(%dma_start3A_296 : memref<320xf32, #tpu.memory_space<hbm>>) target_semaphore(%run_scoped3A : memref<!tpu.dma_semaphore, #tpu.memory_space<semaphore_mem>>)
      %dma_wait3A_297 = tpu.memref_slice %arg10[%add3A_262] : memref<20480xf32, #tpu.memory_space<hbm>> -> memref<320xf32, #tpu.memory_space<hbm>>
      %dma_wait3A_298 = tpu.memref_slice %arg10[%add3A_262] : memref<20480xf32, #tpu.memory_space<hbm>> -> memref<320xf32, #tpu.memory_space<hbm>>
      tpu.wait_dma2 semaphore(%run_scoped3A : memref<!tpu.dma_semaphore, #tpu.memory_space<semaphore_mem>>) src(%arg26 : memref<320xf32, #tpu.memory_space<vmem>>) dst(%dma_wait3A_298 : memref<320xf32, #tpu.memory_space<hbm>>)
      tpu.yield
    }) : () -> ()
    %add3A_263 = arith.constant 0 : i32
    %add3A_264 = arith.addi %add3A_263, %mul3A_2 : i32
    "tpu.region"() ({
      %run_scoped3A = tpu.sem_alloc : memref<!tpu.dma_semaphore, #tpu.memory_space<semaphore_mem>>
      %dma_start3A_295 = arith.constant 0 : i32
      %dma_start3A_296 = tpu.memref_slice %arg28[%dma_start3A_295] : memref<5120xf32, #tpu.memory_space<vmem>> -> memref<320xf32, #tpu.memory_space<vmem>>
      %dma_start3A_297 = tpu.memref_slice %arg11[%add3A_264] : memref<163840xf32, #tpu.memory_space<hbm>> -> memref<320xf32, #tpu.memory_space<hbm>>
      %dma_start3A_298 = tpu.memref_slice %arg11[%add3A_264] : memref<163840xf32, #tpu.memory_space<hbm>> -> memref<320xf32, #tpu.memory_space<hbm>>
      %dma_start3A_299 = arith.constant 0 : i32
      %dma_start3A_300 = tpu.memref_slice %arg28[%dma_start3A_299] : memref<5120xf32, #tpu.memory_space<vmem>> -> memref<320xf32, #tpu.memory_space<vmem>>
      tpu.enqueue_dma source(%dma_start3A_300 : memref<320xf32, #tpu.memory_space<vmem>>) target(%dma_start3A_298 : memref<320xf32, #tpu.memory_space<hbm>>) target_semaphore(%run_scoped3A : memref<!tpu.dma_semaphore, #tpu.memory_space<semaphore_mem>>)
      %dma_wait3A_301 = arith.constant 0 : i32
      %dma_wait3A_302 = tpu.memref_slice %arg28[%dma_wait3A_301] : memref<5120xf32, #tpu.memory_space<vmem>> -> memref<320xf32, #tpu.memory_space<vmem>>
      %dma_wait3A_303 = tpu.memref_slice %arg11[%add3A_264] : memref<163840xf32, #tpu.memory_space<hbm>> -> memref<320xf32, #tpu.memory_space<hbm>>
      %dma_wait3A_304 = tpu.memref_slice %arg11[%add3A_264] : memref<163840xf32, #tpu.memory_space<hbm>> -> memref<320xf32, #tpu.memory_space<hbm>>
      %dma_wait3A_305 = arith.constant 0 : i32
      %dma_wait3A_306 = tpu.memref_slice %arg28[%dma_wait3A_305] : memref<5120xf32, #tpu.memory_space<vmem>> -> memref<320xf32, #tpu.memory_space<vmem>>
      tpu.wait_dma2 semaphore(%run_scoped3A : memref<!tpu.dma_semaphore, #tpu.memory_space<semaphore_mem>>) src(%dma_wait3A_306 : memref<320xf32, #tpu.memory_space<vmem>>) dst(%dma_wait3A_304 : memref<320xf32, #tpu.memory_space<hbm>>)
      tpu.yield
    }) : () -> ()
    %add3A_265 = arith.constant 10240 : i32
    %add3A_266 = arith.addi %add3A_265, %mul3A_2 : i32
    "tpu.region"() ({
      %run_scoped3A = tpu.sem_alloc : memref<!tpu.dma_semaphore, #tpu.memory_space<semaphore_mem>>
      %dma_start3A_295 = arith.constant 320 : i32
      %dma_start3A_296 = tpu.memref_slice %arg28[%dma_start3A_295] : memref<5120xf32, #tpu.memory_space<vmem>> -> memref<320xf32, #tpu.memory_space<vmem>>
      %dma_start3A_297 = tpu.memref_slice %arg11[%add3A_266] : memref<163840xf32, #tpu.memory_space<hbm>> -> memref<320xf32, #tpu.memory_space<hbm>>
      %dma_start3A_298 = tpu.memref_slice %arg11[%add3A_266] : memref<163840xf32, #tpu.memory_space<hbm>> -> memref<320xf32, #tpu.memory_space<hbm>>
      %dma_start3A_299 = arith.constant 320 : i32
      %dma_start3A_300 = tpu.memref_slice %arg28[%dma_start3A_299] : memref<5120xf32, #tpu.memory_space<vmem>> -> memref<320xf32, #tpu.memory_space<vmem>>
      tpu.enqueue_dma source(%dma_start3A_300 : memref<320xf32, #tpu.memory_space<vmem>>) target(%dma_start3A_298 : memref<320xf32, #tpu.memory_space<hbm>>) target_semaphore(%run_scoped3A : memref<!tpu.dma_semaphore, #tpu.memory_space<semaphore_mem>>)
      %dma_wait3A_301 = arith.constant 320 : i32
      %dma_wait3A_302 = tpu.memref_slice %arg28[%dma_wait3A_301] : memref<5120xf32, #tpu.memory_space<vmem>> -> memref<320xf32, #tpu.memory_space<vmem>>
      %dma_wait3A_303 = tpu.memref_slice %arg11[%add3A_266] : memref<163840xf32, #tpu.memory_space<hbm>> -> memref<320xf32, #tpu.memory_space<hbm>>
      %dma_wait3A_304 = tpu.memref_slice %arg11[%add3A_266] : memref<163840xf32, #tpu.memory_space<hbm>> -> memref<320xf32, #tpu.memory_space<hbm>>
      %dma_wait3A_305 = arith.constant 320 : i32
      %dma_wait3A_306 = tpu.memref_slice %arg28[%dma_wait3A_305] : memref<5120xf32, #tpu.memory_space<vmem>> -> memref<320xf32, #tpu.memory_space<vmem>>
      tpu.wait_dma2 semaphore(%run_scoped3A : memref<!tpu.dma_semaphore, #tpu.memory_space<semaphore_mem>>) src(%dma_wait3A_306 : memref<320xf32, #tpu.memory_space<vmem>>) dst(%dma_wait3A_304 : memref<320xf32, #tpu.memory_space<hbm>>)
      tpu.yield
    }) : () -> ()
    %add3A_267 = arith.constant 20480 : i32
    %add3A_268 = arith.addi %add3A_267, %mul3A_2 : i32
    "tpu.region"() ({
      %run_scoped3A = tpu.sem_alloc : memref<!tpu.dma_semaphore, #tpu.memory_space<semaphore_mem>>
      %dma_start3A_295 = arith.constant 640 : i32
      %dma_start3A_296 = tpu.memref_slice %arg28[%dma_start3A_295] : memref<5120xf32, #tpu.memory_space<vmem>> -> memref<320xf32, #tpu.memory_space<vmem>>
      %dma_start3A_297 = tpu.memref_slice %arg11[%add3A_268] : memref<163840xf32, #tpu.memory_space<hbm>> -> memref<320xf32, #tpu.memory_space<hbm>>
      %dma_start3A_298 = tpu.memref_slice %arg11[%add3A_268] : memref<163840xf32, #tpu.memory_space<hbm>> -> memref<320xf32, #tpu.memory_space<hbm>>
      %dma_start3A_299 = arith.constant 640 : i32
      %dma_start3A_300 = tpu.memref_slice %arg28[%dma_start3A_299] : memref<5120xf32, #tpu.memory_space<vmem>> -> memref<320xf32, #tpu.memory_space<vmem>>
      tpu.enqueue_dma source(%dma_start3A_300 : memref<320xf32, #tpu.memory_space<vmem>>) target(%dma_start3A_298 : memref<320xf32, #tpu.memory_space<hbm>>) target_semaphore(%run_scoped3A : memref<!tpu.dma_semaphore, #tpu.memory_space<semaphore_mem>>)
      %dma_wait3A_301 = arith.constant 640 : i32
      %dma_wait3A_302 = tpu.memref_slice %arg28[%dma_wait3A_301] : memref<5120xf32, #tpu.memory_space<vmem>> -> memref<320xf32, #tpu.memory_space<vmem>>
      %dma_wait3A_303 = tpu.memref_slice %arg11[%add3A_268] : memref<163840xf32, #tpu.memory_space<hbm>> -> memref<320xf32, #tpu.memory_space<hbm>>
      %dma_wait3A_304 = tpu.memref_slice %arg11[%add3A_268] : memref<163840xf32, #tpu.memory_space<hbm>> -> memref<320xf32, #tpu.memory_space<hbm>>
      %dma_wait3A_305 = arith.constant 640 : i32
      %dma_wait3A_306 = tpu.memref_slice %arg28[%dma_wait3A_305] : memref<5120xf32, #tpu.memory_space<vmem>> -> memref<320xf32, #tpu.memory_space<vmem>>
      tpu.wait_dma2 semaphore(%run_scoped3A : memref<!tpu.dma_semaphore, #tpu.memory_space<semaphore_mem>>) src(%dma_wait3A_306 : memref<320xf32, #tpu.memory_space<vmem>>) dst(%dma_wait3A_304 : memref<320xf32, #tpu.memory_space<hbm>>)
      tpu.yield
    }) : () -> ()
    %add3A_269 = arith.constant 30720 : i32
    %add3A_270 = arith.addi %add3A_269, %mul3A_2 : i32
    "tpu.region"() ({
      %run_scoped3A = tpu.sem_alloc : memref<!tpu.dma_semaphore, #tpu.memory_space<semaphore_mem>>
      %dma_start3A_295 = arith.constant 960 : i32
      %dma_start3A_296 = tpu.memref_slice %arg28[%dma_start3A_295] : memref<5120xf32, #tpu.memory_space<vmem>> -> memref<320xf32, #tpu.memory_space<vmem>>
      %dma_start3A_297 = tpu.memref_slice %arg11[%add3A_270] : memref<163840xf32, #tpu.memory_space<hbm>> -> memref<320xf32, #tpu.memory_space<hbm>>
      %dma_start3A_298 = tpu.memref_slice %arg11[%add3A_270] : memref<163840xf32, #tpu.memory_space<hbm>> -> memref<320xf32, #tpu.memory_space<hbm>>
      %dma_start3A_299 = arith.constant 960 : i32
      %dma_start3A_300 = tpu.memref_slice %arg28[%dma_start3A_299] : memref<5120xf32, #tpu.memory_space<vmem>> -> memref<320xf32, #tpu.memory_space<vmem>>
      tpu.enqueue_dma source(%dma_start3A_300 : memref<320xf32, #tpu.memory_space<vmem>>) target(%dma_start3A_298 : memref<320xf32, #tpu.memory_space<hbm>>) target_semaphore(%run_scoped3A : memref<!tpu.dma_semaphore, #tpu.memory_space<semaphore_mem>>)
      %dma_wait3A_301 = arith.constant 960 : i32
      %dma_wait3A_302 = tpu.memref_slice %arg28[%dma_wait3A_301] : memref<5120xf32, #tpu.memory_space<vmem>> -> memref<320xf32, #tpu.memory_space<vmem>>
      %dma_wait3A_303 = tpu.memref_slice %arg11[%add3A_270] : memref<163840xf32, #tpu.memory_space<hbm>> -> memref<320xf32, #tpu.memory_space<hbm>>
      %dma_wait3A_304 = tpu.memref_slice %arg11[%add3A_270] : memref<163840xf32, #tpu.memory_space<hbm>> -> memref<320xf32, #tpu.memory_space<hbm>>
      %dma_wait3A_305 = arith.constant 960 : i32
      %dma_wait3A_306 = tpu.memref_slice %arg28[%dma_wait3A_305] : memref<5120xf32, #tpu.memory_space<vmem>> -> memref<320xf32, #tpu.memory_space<vmem>>
      tpu.wait_dma2 semaphore(%run_scoped3A : memref<!tpu.dma_semaphore, #tpu.memory_space<semaphore_mem>>) src(%dma_wait3A_306 : memref<320xf32, #tpu.memory_space<vmem>>) dst(%dma_wait3A_304 : memref<320xf32, #tpu.memory_space<hbm>>)
      tpu.yield
    }) : () -> ()
    %add3A_271 = arith.constant 40960 : i32
    %add3A_272 = arith.addi %add3A_271, %mul3A_2 : i32
    "tpu.region"() ({
      %run_scoped3A = tpu.sem_alloc : memref<!tpu.dma_semaphore, #tpu.memory_space<semaphore_mem>>
      %dma_start3A_295 = arith.constant 1280 : i32
      %dma_start3A_296 = tpu.memref_slice %arg28[%dma_start3A_295] : memref<5120xf32, #tpu.memory_space<vmem>> -> memref<320xf32, #tpu.memory_space<vmem>>
      %dma_start3A_297 = tpu.memref_slice %arg11[%add3A_272] : memref<163840xf32, #tpu.memory_space<hbm>> -> memref<320xf32, #tpu.memory_space<hbm>>
      %dma_start3A_298 = tpu.memref_slice %arg11[%add3A_272] : memref<163840xf32, #tpu.memory_space<hbm>> -> memref<320xf32, #tpu.memory_space<hbm>>
      %dma_start3A_299 = arith.constant 1280 : i32
      %dma_start3A_300 = tpu.memref_slice %arg28[%dma_start3A_299] : memref<5120xf32, #tpu.memory_space<vmem>> -> memref<320xf32, #tpu.memory_space<vmem>>
      tpu.enqueue_dma source(%dma_start3A_300 : memref<320xf32, #tpu.memory_space<vmem>>) target(%dma_start3A_298 : memref<320xf32, #tpu.memory_space<hbm>>) target_semaphore(%run_scoped3A : memref<!tpu.dma_semaphore, #tpu.memory_space<semaphore_mem>>)
      %dma_wait3A_301 = arith.constant 1280 : i32
      %dma_wait3A_302 = tpu.memref_slice %arg28[%dma_wait3A_301] : memref<5120xf32, #tpu.memory_space<vmem>> -> memref<320xf32, #tpu.memory_space<vmem>>
      %dma_wait3A_303 = tpu.memref_slice %arg11[%add3A_272] : memref<163840xf32, #tpu.memory_space<hbm>> -> memref<320xf32, #tpu.memory_space<hbm>>
      %dma_wait3A_304 = tpu.memref_slice %arg11[%add3A_272] : memref<163840xf32, #tpu.memory_space<hbm>> -> memref<320xf32, #tpu.memory_space<hbm>>
      %dma_wait3A_305 = arith.constant 1280 : i32
      %dma_wait3A_306 = tpu.memref_slice %arg28[%dma_wait3A_305] : memref<5120xf32, #tpu.memory_space<vmem>> -> memref<320xf32, #tpu.memory_space<vmem>>
      tpu.wait_dma2 semaphore(%run_scoped3A : memref<!tpu.dma_semaphore, #tpu.memory_space<semaphore_mem>>) src(%dma_wait3A_306 : memref<320xf32, #tpu.memory_space<vmem>>) dst(%dma_wait3A_304 : memref<320xf32, #tpu.memory_space<hbm>>)
      tpu.yield
    }) : () -> ()
    %add3A_273 = arith.constant 51200 : i32
    %add3A_274 = arith.addi %add3A_273, %mul3A_2 : i32
    "tpu.region"() ({
      %run_scoped3A = tpu.sem_alloc : memref<!tpu.dma_semaphore, #tpu.memory_space<semaphore_mem>>
      %dma_start3A_295 = arith.constant 1600 : i32
      %dma_start3A_296 = tpu.memref_slice %arg28[%dma_start3A_295] : memref<5120xf32, #tpu.memory_space<vmem>> -> memref<320xf32, #tpu.memory_space<vmem>>
      %dma_start3A_297 = tpu.memref_slice %arg11[%add3A_274] : memref<163840xf32, #tpu.memory_space<hbm>> -> memref<320xf32, #tpu.memory_space<hbm>>
      %dma_start3A_298 = tpu.memref_slice %arg11[%add3A_274] : memref<163840xf32, #tpu.memory_space<hbm>> -> memref<320xf32, #tpu.memory_space<hbm>>
      %dma_start3A_299 = arith.constant 1600 : i32
      %dma_start3A_300 = tpu.memref_slice %arg28[%dma_start3A_299] : memref<5120xf32, #tpu.memory_space<vmem>> -> memref<320xf32, #tpu.memory_space<vmem>>
      tpu.enqueue_dma source(%dma_start3A_300 : memref<320xf32, #tpu.memory_space<vmem>>) target(%dma_start3A_298 : memref<320xf32, #tpu.memory_space<hbm>>) target_semaphore(%run_scoped3A : memref<!tpu.dma_semaphore, #tpu.memory_space<semaphore_mem>>)
      %dma_wait3A_301 = arith.constant 1600 : i32
      %dma_wait3A_302 = tpu.memref_slice %arg28[%dma_wait3A_301] : memref<5120xf32, #tpu.memory_space<vmem>> -> memref<320xf32, #tpu.memory_space<vmem>>
      %dma_wait3A_303 = tpu.memref_slice %arg11[%add3A_274] : memref<163840xf32, #tpu.memory_space<hbm>> -> memref<320xf32, #tpu.memory_space<hbm>>
      %dma_wait3A_304 = tpu.memref_slice %arg11[%add3A_274] : memref<163840xf32, #tpu.memory_space<hbm>> -> memref<320xf32, #tpu.memory_space<hbm>>
      %dma_wait3A_305 = arith.constant 1600 : i32
      %dma_wait3A_306 = tpu.memref_slice %arg28[%dma_wait3A_305] : memref<5120xf32, #tpu.memory_space<vmem>> -> memref<320xf32, #tpu.memory_space<vmem>>
      tpu.wait_dma2 semaphore(%run_scoped3A : memref<!tpu.dma_semaphore, #tpu.memory_space<semaphore_mem>>) src(%dma_wait3A_306 : memref<320xf32, #tpu.memory_space<vmem>>) dst(%dma_wait3A_304 : memref<320xf32, #tpu.memory_space<hbm>>)
      tpu.yield
    }) : () -> ()
    %add3A_275 = arith.constant 61440 : i32
    %add3A_276 = arith.addi %add3A_275, %mul3A_2 : i32
    "tpu.region"() ({
      %run_scoped3A = tpu.sem_alloc : memref<!tpu.dma_semaphore, #tpu.memory_space<semaphore_mem>>
      %dma_start3A_295 = arith.constant 1920 : i32
      %dma_start3A_296 = tpu.memref_slice %arg28[%dma_start3A_295] : memref<5120xf32, #tpu.memory_space<vmem>> -> memref<320xf32, #tpu.memory_space<vmem>>
      %dma_start3A_297 = tpu.memref_slice %arg11[%add3A_276] : memref<163840xf32, #tpu.memory_space<hbm>> -> memref<320xf32, #tpu.memory_space<hbm>>
      %dma_start3A_298 = tpu.memref_slice %arg11[%add3A_276] : memref<163840xf32, #tpu.memory_space<hbm>> -> memref<320xf32, #tpu.memory_space<hbm>>
      %dma_start3A_299 = arith.constant 1920 : i32
      %dma_start3A_300 = tpu.memref_slice %arg28[%dma_start3A_299] : memref<5120xf32, #tpu.memory_space<vmem>> -> memref<320xf32, #tpu.memory_space<vmem>>
      tpu.enqueue_dma source(%dma_start3A_300 : memref<320xf32, #tpu.memory_space<vmem>>) target(%dma_start3A_298 : memref<320xf32, #tpu.memory_space<hbm>>) target_semaphore(%run_scoped3A : memref<!tpu.dma_semaphore, #tpu.memory_space<semaphore_mem>>)
      %dma_wait3A_301 = arith.constant 1920 : i32
      %dma_wait3A_302 = tpu.memref_slice %arg28[%dma_wait3A_301] : memref<5120xf32, #tpu.memory_space<vmem>> -> memref<320xf32, #tpu.memory_space<vmem>>
      %dma_wait3A_303 = tpu.memref_slice %arg11[%add3A_276] : memref<163840xf32, #tpu.memory_space<hbm>> -> memref<320xf32, #tpu.memory_space<hbm>>
      %dma_wait3A_304 = tpu.memref_slice %arg11[%add3A_276] : memref<163840xf32, #tpu.memory_space<hbm>> -> memref<320xf32, #tpu.memory_space<hbm>>
      %dma_wait3A_305 = arith.constant 1920 : i32
      %dma_wait3A_306 = tpu.memref_slice %arg28[%dma_wait3A_305] : memref<5120xf32, #tpu.memory_space<vmem>> -> memref<320xf32, #tpu.memory_space<vmem>>
      tpu.wait_dma2 semaphore(%run_scoped3A : memref<!tpu.dma_semaphore, #tpu.memory_space<semaphore_mem>>) src(%dma_wait3A_306 : memref<320xf32, #tpu.memory_space<vmem>>) dst(%dma_wait3A_304 : memref<320xf32, #tpu.memory_space<hbm>>)
      tpu.yield
    }) : () -> ()
    %add3A_277 = arith.constant 71680 : i32
    %add3A_278 = arith.addi %add3A_277, %mul3A_2 : i32
    "tpu.region"() ({
      %run_scoped3A = tpu.sem_alloc : memref<!tpu.dma_semaphore, #tpu.memory_space<semaphore_mem>>
      %dma_start3A_295 = arith.constant 2240 : i32
      %dma_start3A_296 = tpu.memref_slice %arg28[%dma_start3A_295] : memref<5120xf32, #tpu.memory_space<vmem>> -> memref<320xf32, #tpu.memory_space<vmem>>
      %dma_start3A_297 = tpu.memref_slice %arg11[%add3A_278] : memref<163840xf32, #tpu.memory_space<hbm>> -> memref<320xf32, #tpu.memory_space<hbm>>
      %dma_start3A_298 = tpu.memref_slice %arg11[%add3A_278] : memref<163840xf32, #tpu.memory_space<hbm>> -> memref<320xf32, #tpu.memory_space<hbm>>
      %dma_start3A_299 = arith.constant 2240 : i32
      %dma_start3A_300 = tpu.memref_slice %arg28[%dma_start3A_299] : memref<5120xf32, #tpu.memory_space<vmem>> -> memref<320xf32, #tpu.memory_space<vmem>>
      tpu.enqueue_dma source(%dma_start3A_300 : memref<320xf32, #tpu.memory_space<vmem>>) target(%dma_start3A_298 : memref<320xf32, #tpu.memory_space<hbm>>) target_semaphore(%run_scoped3A : memref<!tpu.dma_semaphore, #tpu.memory_space<semaphore_mem>>)
      %dma_wait3A_301 = arith.constant 2240 : i32
      %dma_wait3A_302 = tpu.memref_slice %arg28[%dma_wait3A_301] : memref<5120xf32, #tpu.memory_space<vmem>> -> memref<320xf32, #tpu.memory_space<vmem>>
      %dma_wait3A_303 = tpu.memref_slice %arg11[%add3A_278] : memref<163840xf32, #tpu.memory_space<hbm>> -> memref<320xf32, #tpu.memory_space<hbm>>
      %dma_wait3A_304 = tpu.memref_slice %arg11[%add3A_278] : memref<163840xf32, #tpu.memory_space<hbm>> -> memref<320xf32, #tpu.memory_space<hbm>>
      %dma_wait3A_305 = arith.constant 2240 : i32
      %dma_wait3A_306 = tpu.memref_slice %arg28[%dma_wait3A_305] : memref<5120xf32, #tpu.memory_space<vmem>> -> memref<320xf32, #tpu.memory_space<vmem>>
      tpu.wait_dma2 semaphore(%run_scoped3A : memref<!tpu.dma_semaphore, #tpu.memory_space<semaphore_mem>>) src(%dma_wait3A_306 : memref<320xf32, #tpu.memory_space<vmem>>) dst(%dma_wait3A_304 : memref<320xf32, #tpu.memory_space<hbm>>)
      tpu.yield
    }) : () -> ()
    %add3A_279 = arith.constant 81920 : i32
    %add3A_280 = arith.addi %add3A_279, %mul3A_2 : i32
    "tpu.region"() ({
      %run_scoped3A = tpu.sem_alloc : memref<!tpu.dma_semaphore, #tpu.memory_space<semaphore_mem>>
      %dma_start3A_295 = arith.constant 2560 : i32
      %dma_start3A_296 = tpu.memref_slice %arg28[%dma_start3A_295] : memref<5120xf32, #tpu.memory_space<vmem>> -> memref<320xf32, #tpu.memory_space<vmem>>
      %dma_start3A_297 = tpu.memref_slice %arg11[%add3A_280] : memref<163840xf32, #tpu.memory_space<hbm>> -> memref<320xf32, #tpu.memory_space<hbm>>
      %dma_start3A_298 = tpu.memref_slice %arg11[%add3A_280] : memref<163840xf32, #tpu.memory_space<hbm>> -> memref<320xf32, #tpu.memory_space<hbm>>
      %dma_start3A_299 = arith.constant 2560 : i32
      %dma_start3A_300 = tpu.memref_slice %arg28[%dma_start3A_299] : memref<5120xf32, #tpu.memory_space<vmem>> -> memref<320xf32, #tpu.memory_space<vmem>>
      tpu.enqueue_dma source(%dma_start3A_300 : memref<320xf32, #tpu.memory_space<vmem>>) target(%dma_start3A_298 : memref<320xf32, #tpu.memory_space<hbm>>) target_semaphore(%run_scoped3A : memref<!tpu.dma_semaphore, #tpu.memory_space<semaphore_mem>>)
      %dma_wait3A_301 = arith.constant 2560 : i32
      %dma_wait3A_302 = tpu.memref_slice %arg28[%dma_wait3A_301] : memref<5120xf32, #tpu.memory_space<vmem>> -> memref<320xf32, #tpu.memory_space<vmem>>
      %dma_wait3A_303 = tpu.memref_slice %arg11[%add3A_280] : memref<163840xf32, #tpu.memory_space<hbm>> -> memref<320xf32, #tpu.memory_space<hbm>>
      %dma_wait3A_304 = tpu.memref_slice %arg11[%add3A_280] : memref<163840xf32, #tpu.memory_space<hbm>> -> memref<320xf32, #tpu.memory_space<hbm>>
      %dma_wait3A_305 = arith.constant 2560 : i32
      %dma_wait3A_306 = tpu.memref_slice %arg28[%dma_wait3A_305] : memref<5120xf32, #tpu.memory_space<vmem>> -> memref<320xf32, #tpu.memory_space<vmem>>
      tpu.wait_dma2 semaphore(%run_scoped3A : memref<!tpu.dma_semaphore, #tpu.memory_space<semaphore_mem>>) src(%dma_wait3A_306 : memref<320xf32, #tpu.memory_space<vmem>>) dst(%dma_wait3A_304 : memref<320xf32, #tpu.memory_space<hbm>>)
      tpu.yield
    }) : () -> ()
    %add3A_281 = arith.constant 92160 : i32
    %add3A_282 = arith.addi %add3A_281, %mul3A_2 : i32
    "tpu.region"() ({
      %run_scoped3A = tpu.sem_alloc : memref<!tpu.dma_semaphore, #tpu.memory_space<semaphore_mem>>
      %dma_start3A_295 = arith.constant 2880 : i32
      %dma_start3A_296 = tpu.memref_slice %arg28[%dma_start3A_295] : memref<5120xf32, #tpu.memory_space<vmem>> -> memref<320xf32, #tpu.memory_space<vmem>>
      %dma_start3A_297 = tpu.memref_slice %arg11[%add3A_282] : memref<163840xf32, #tpu.memory_space<hbm>> -> memref<320xf32, #tpu.memory_space<hbm>>
      %dma_start3A_298 = tpu.memref_slice %arg11[%add3A_282] : memref<163840xf32, #tpu.memory_space<hbm>> -> memref<320xf32, #tpu.memory_space<hbm>>
      %dma_start3A_299 = arith.constant 2880 : i32
      %dma_start3A_300 = tpu.memref_slice %arg28[%dma_start3A_299] : memref<5120xf32, #tpu.memory_space<vmem>> -> memref<320xf32, #tpu.memory_space<vmem>>
      tpu.enqueue_dma source(%dma_start3A_300 : memref<320xf32, #tpu.memory_space<vmem>>) target(%dma_start3A_298 : memref<320xf32, #tpu.memory_space<hbm>>) target_semaphore(%run_scoped3A : memref<!tpu.dma_semaphore, #tpu.memory_space<semaphore_mem>>)
      %dma_wait3A_301 = arith.constant 2880 : i32
      %dma_wait3A_302 = tpu.memref_slice %arg28[%dma_wait3A_301] : memref<5120xf32, #tpu.memory_space<vmem>> -> memref<320xf32, #tpu.memory_space<vmem>>
      %dma_wait3A_303 = tpu.memref_slice %arg11[%add3A_282] : memref<163840xf32, #tpu.memory_space<hbm>> -> memref<320xf32, #tpu.memory_space<hbm>>
      %dma_wait3A_304 = tpu.memref_slice %arg11[%add3A_282] : memref<163840xf32, #tpu.memory_space<hbm>> -> memref<320xf32, #tpu.memory_space<hbm>>
      %dma_wait3A_305 = arith.constant 2880 : i32
      %dma_wait3A_306 = tpu.memref_slice %arg28[%dma_wait3A_305] : memref<5120xf32, #tpu.memory_space<vmem>> -> memref<320xf32, #tpu.memory_space<vmem>>
      tpu.wait_dma2 semaphore(%run_scoped3A : memref<!tpu.dma_semaphore, #tpu.memory_space<semaphore_mem>>) src(%dma_wait3A_306 : memref<320xf32, #tpu.memory_space<vmem>>) dst(%dma_wait3A_304 : memref<320xf32, #tpu.memory_space<hbm>>)
      tpu.yield
    }) : () -> ()
    %add3A_283 = arith.constant 102400 : i32
    %add3A_284 = arith.addi %add3A_283, %mul3A_2 : i32
    "tpu.region"() ({
      %run_scoped3A = tpu.sem_alloc : memref<!tpu.dma_semaphore, #tpu.memory_space<semaphore_mem>>
      %dma_start3A_295 = arith.constant 3200 : i32
      %dma_start3A_296 = tpu.memref_slice %arg28[%dma_start3A_295] : memref<5120xf32, #tpu.memory_space<vmem>> -> memref<320xf32, #tpu.memory_space<vmem>>
      %dma_start3A_297 = tpu.memref_slice %arg11[%add3A_284] : memref<163840xf32, #tpu.memory_space<hbm>> -> memref<320xf32, #tpu.memory_space<hbm>>
      %dma_start3A_298 = tpu.memref_slice %arg11[%add3A_284] : memref<163840xf32, #tpu.memory_space<hbm>> -> memref<320xf32, #tpu.memory_space<hbm>>
      %dma_start3A_299 = arith.constant 3200 : i32
      %dma_start3A_300 = tpu.memref_slice %arg28[%dma_start3A_299] : memref<5120xf32, #tpu.memory_space<vmem>> -> memref<320xf32, #tpu.memory_space<vmem>>
      tpu.enqueue_dma source(%dma_start3A_300 : memref<320xf32, #tpu.memory_space<vmem>>) target(%dma_start3A_298 : memref<320xf32, #tpu.memory_space<hbm>>) target_semaphore(%run_scoped3A : memref<!tpu.dma_semaphore, #tpu.memory_space<semaphore_mem>>)
      %dma_wait3A_301 = arith.constant 3200 : i32
      %dma_wait3A_302 = tpu.memref_slice %arg28[%dma_wait3A_301] : memref<5120xf32, #tpu.memory_space<vmem>> -> memref<320xf32, #tpu.memory_space<vmem>>
      %dma_wait3A_303 = tpu.memref_slice %arg11[%add3A_284] : memref<163840xf32, #tpu.memory_space<hbm>> -> memref<320xf32, #tpu.memory_space<hbm>>
      %dma_wait3A_304 = tpu.memref_slice %arg11[%add3A_284] : memref<163840xf32, #tpu.memory_space<hbm>> -> memref<320xf32, #tpu.memory_space<hbm>>
      %dma_wait3A_305 = arith.constant 3200 : i32
      %dma_wait3A_306 = tpu.memref_slice %arg28[%dma_wait3A_305] : memref<5120xf32, #tpu.memory_space<vmem>> -> memref<320xf32, #tpu.memory_space<vmem>>
      tpu.wait_dma2 semaphore(%run_scoped3A : memref<!tpu.dma_semaphore, #tpu.memory_space<semaphore_mem>>) src(%dma_wait3A_306 : memref<320xf32, #tpu.memory_space<vmem>>) dst(%dma_wait3A_304 : memref<320xf32, #tpu.memory_space<hbm>>)
      tpu.yield
    }) : () -> ()
    %add3A_285 = arith.constant 112640 : i32
    %add3A_286 = arith.addi %add3A_285, %mul3A_2 : i32
    "tpu.region"() ({
      %run_scoped3A = tpu.sem_alloc : memref<!tpu.dma_semaphore, #tpu.memory_space<semaphore_mem>>
      %dma_start3A_295 = arith.constant 3520 : i32
      %dma_start3A_296 = tpu.memref_slice %arg28[%dma_start3A_295] : memref<5120xf32, #tpu.memory_space<vmem>> -> memref<320xf32, #tpu.memory_space<vmem>>
      %dma_start3A_297 = tpu.memref_slice %arg11[%add3A_286] : memref<163840xf32, #tpu.memory_space<hbm>> -> memref<320xf32, #tpu.memory_space<hbm>>
      %dma_start3A_298 = tpu.memref_slice %arg11[%add3A_286] : memref<163840xf32, #tpu.memory_space<hbm>> -> memref<320xf32, #tpu.memory_space<hbm>>
      %dma_start3A_299 = arith.constant 3520 : i32
      %dma_start3A_300 = tpu.memref_slice %arg28[%dma_start3A_299] : memref<5120xf32, #tpu.memory_space<vmem>> -> memref<320xf32, #tpu.memory_space<vmem>>
      tpu.enqueue_dma source(%dma_start3A_300 : memref<320xf32, #tpu.memory_space<vmem>>) target(%dma_start3A_298 : memref<320xf32, #tpu.memory_space<hbm>>) target_semaphore(%run_scoped3A : memref<!tpu.dma_semaphore, #tpu.memory_space<semaphore_mem>>)
      %dma_wait3A_301 = arith.constant 3520 : i32
      %dma_wait3A_302 = tpu.memref_slice %arg28[%dma_wait3A_301] : memref<5120xf32, #tpu.memory_space<vmem>> -> memref<320xf32, #tpu.memory_space<vmem>>
      %dma_wait3A_303 = tpu.memref_slice %arg11[%add3A_286] : memref<163840xf32, #tpu.memory_space<hbm>> -> memref<320xf32, #tpu.memory_space<hbm>>
      %dma_wait3A_304 = tpu.memref_slice %arg11[%add3A_286] : memref<163840xf32, #tpu.memory_space<hbm>> -> memref<320xf32, #tpu.memory_space<hbm>>
      %dma_wait3A_305 = arith.constant 3520 : i32
      %dma_wait3A_306 = tpu.memref_slice %arg28[%dma_wait3A_305] : memref<5120xf32, #tpu.memory_space<vmem>> -> memref<320xf32, #tpu.memory_space<vmem>>
      tpu.wait_dma2 semaphore(%run_scoped3A : memref<!tpu.dma_semaphore, #tpu.memory_space<semaphore_mem>>) src(%dma_wait3A_306 : memref<320xf32, #tpu.memory_space<vmem>>) dst(%dma_wait3A_304 : memref<320xf32, #tpu.memory_space<hbm>>)
      tpu.yield
    }) : () -> ()
    %add3A_287 = arith.constant 122880 : i32
    %add3A_288 = arith.addi %add3A_287, %mul3A_2 : i32
    "tpu.region"() ({
      %run_scoped3A = tpu.sem_alloc : memref<!tpu.dma_semaphore, #tpu.memory_space<semaphore_mem>>
      %dma_start3A_295 = arith.constant 3840 : i32
      %dma_start3A_296 = tpu.memref_slice %arg28[%dma_start3A_295] : memref<5120xf32, #tpu.memory_space<vmem>> -> memref<320xf32, #tpu.memory_space<vmem>>
      %dma_start3A_297 = tpu.memref_slice %arg11[%add3A_288] : memref<163840xf32, #tpu.memory_space<hbm>> -> memref<320xf32, #tpu.memory_space<hbm>>
      %dma_start3A_298 = tpu.memref_slice %arg11[%add3A_288] : memref<163840xf32, #tpu.memory_space<hbm>> -> memref<320xf32, #tpu.memory_space<hbm>>
      %dma_start3A_299 = arith.constant 3840 : i32
      %dma_start3A_300 = tpu.memref_slice %arg28[%dma_start3A_299] : memref<5120xf32, #tpu.memory_space<vmem>> -> memref<320xf32, #tpu.memory_space<vmem>>
      tpu.enqueue_dma source(%dma_start3A_300 : memref<320xf32, #tpu.memory_space<vmem>>) target(%dma_start3A_298 : memref<320xf32, #tpu.memory_space<hbm>>) target_semaphore(%run_scoped3A : memref<!tpu.dma_semaphore, #tpu.memory_space<semaphore_mem>>)
      %dma_wait3A_301 = arith.constant 3840 : i32
      %dma_wait3A_302 = tpu.memref_slice %arg28[%dma_wait3A_301] : memref<5120xf32, #tpu.memory_space<vmem>> -> memref<320xf32, #tpu.memory_space<vmem>>
      %dma_wait3A_303 = tpu.memref_slice %arg11[%add3A_288] : memref<163840xf32, #tpu.memory_space<hbm>> -> memref<320xf32, #tpu.memory_space<hbm>>
      %dma_wait3A_304 = tpu.memref_slice %arg11[%add3A_288] : memref<163840xf32, #tpu.memory_space<hbm>> -> memref<320xf32, #tpu.memory_space<hbm>>
      %dma_wait3A_305 = arith.constant 3840 : i32
      %dma_wait3A_306 = tpu.memref_slice %arg28[%dma_wait3A_305] : memref<5120xf32, #tpu.memory_space<vmem>> -> memref<320xf32, #tpu.memory_space<vmem>>
      tpu.wait_dma2 semaphore(%run_scoped3A : memref<!tpu.dma_semaphore, #tpu.memory_space<semaphore_mem>>) src(%dma_wait3A_306 : memref<320xf32, #tpu.memory_space<vmem>>) dst(%dma_wait3A_304 : memref<320xf32, #tpu.memory_space<hbm>>)
      tpu.yield
    }) : () -> ()
    %add3A_289 = arith.constant 133120 : i32
    %add3A_290 = arith.addi %add3A_289, %mul3A_2 : i32
    "tpu.region"() ({
      %run_scoped3A = tpu.sem_alloc : memref<!tpu.dma_semaphore, #tpu.memory_space<semaphore_mem>>
      %dma_start3A_295 = arith.constant 4160 : i32
      %dma_start3A_296 = tpu.memref_slice %arg28[%dma_start3A_295] : memref<5120xf32, #tpu.memory_space<vmem>> -> memref<320xf32, #tpu.memory_space<vmem>>
      %dma_start3A_297 = tpu.memref_slice %arg11[%add3A_290] : memref<163840xf32, #tpu.memory_space<hbm>> -> memref<320xf32, #tpu.memory_space<hbm>>
      %dma_start3A_298 = tpu.memref_slice %arg11[%add3A_290] : memref<163840xf32, #tpu.memory_space<hbm>> -> memref<320xf32, #tpu.memory_space<hbm>>
      %dma_start3A_299 = arith.constant 4160 : i32
      %dma_start3A_300 = tpu.memref_slice %arg28[%dma_start3A_299] : memref<5120xf32, #tpu.memory_space<vmem>> -> memref<320xf32, #tpu.memory_space<vmem>>
      tpu.enqueue_dma source(%dma_start3A_300 : memref<320xf32, #tpu.memory_space<vmem>>) target(%dma_start3A_298 : memref<320xf32, #tpu.memory_space<hbm>>) target_semaphore(%run_scoped3A : memref<!tpu.dma_semaphore, #tpu.memory_space<semaphore_mem>>)
      %dma_wait3A_301 = arith.constant 4160 : i32
      %dma_wait3A_302 = tpu.memref_slice %arg28[%dma_wait3A_301] : memref<5120xf32, #tpu.memory_space<vmem>> -> memref<320xf32, #tpu.memory_space<vmem>>
      %dma_wait3A_303 = tpu.memref_slice %arg11[%add3A_290] : memref<163840xf32, #tpu.memory_space<hbm>> -> memref<320xf32, #tpu.memory_space<hbm>>
      %dma_wait3A_304 = tpu.memref_slice %arg11[%add3A_290] : memref<163840xf32, #tpu.memory_space<hbm>> -> memref<320xf32, #tpu.memory_space<hbm>>
      %dma_wait3A_305 = arith.constant 4160 : i32
      %dma_wait3A_306 = tpu.memref_slice %arg28[%dma_wait3A_305] : memref<5120xf32, #tpu.memory_space<vmem>> -> memref<320xf32, #tpu.memory_space<vmem>>
      tpu.wait_dma2 semaphore(%run_scoped3A : memref<!tpu.dma_semaphore, #tpu.memory_space<semaphore_mem>>) src(%dma_wait3A_306 : memref<320xf32, #tpu.memory_space<vmem>>) dst(%dma_wait3A_304 : memref<320xf32, #tpu.memory_space<hbm>>)
      tpu.yield
    }) : () -> ()
    %add3A_291 = arith.constant 143360 : i32
    %add3A_292 = arith.addi %add3A_291, %mul3A_2 : i32
    "tpu.region"() ({
      %run_scoped3A = tpu.sem_alloc : memref<!tpu.dma_semaphore, #tpu.memory_space<semaphore_mem>>
      %dma_start3A_295 = arith.constant 4480 : i32
      %dma_start3A_296 = tpu.memref_slice %arg28[%dma_start3A_295] : memref<5120xf32, #tpu.memory_space<vmem>> -> memref<320xf32, #tpu.memory_space<vmem>>
      %dma_start3A_297 = tpu.memref_slice %arg11[%add3A_292] : memref<163840xf32, #tpu.memory_space<hbm>> -> memref<320xf32, #tpu.memory_space<hbm>>
      %dma_start3A_298 = tpu.memref_slice %arg11[%add3A_292] : memref<163840xf32, #tpu.memory_space<hbm>> -> memref<320xf32, #tpu.memory_space<hbm>>
      %dma_start3A_299 = arith.constant 4480 : i32
      %dma_start3A_300 = tpu.memref_slice %arg28[%dma_start3A_299] : memref<5120xf32, #tpu.memory_space<vmem>> -> memref<320xf32, #tpu.memory_space<vmem>>
      tpu.enqueue_dma source(%dma_start3A_300 : memref<320xf32, #tpu.memory_space<vmem>>) target(%dma_start3A_298 : memref<320xf32, #tpu.memory_space<hbm>>) target_semaphore(%run_scoped3A : memref<!tpu.dma_semaphore, #tpu.memory_space<semaphore_mem>>)
      %dma_wait3A_301 = arith.constant 4480 : i32
      %dma_wait3A_302 = tpu.memref_slice %arg28[%dma_wait3A_301] : memref<5120xf32, #tpu.memory_space<vmem>> -> memref<320xf32, #tpu.memory_space<vmem>>
      %dma_wait3A_303 = tpu.memref_slice %arg11[%add3A_292] : memref<163840xf32, #tpu.memory_space<hbm>> -> memref<320xf32, #tpu.memory_space<hbm>>
      %dma_wait3A_304 = tpu.memref_slice %arg11[%add3A_292] : memref<163840xf32, #tpu.memory_space<hbm>> -> memref<320xf32, #tpu.memory_space<hbm>>
      %dma_wait3A_305 = arith.constant 4480 : i32
      %dma_wait3A_306 = tpu.memref_slice %arg28[%dma_wait3A_305] : memref<5120xf32, #tpu.memory_space<vmem>> -> memref<320xf32, #tpu.memory_space<vmem>>
      tpu.wait_dma2 semaphore(%run_scoped3A : memref<!tpu.dma_semaphore, #tpu.memory_space<semaphore_mem>>) src(%dma_wait3A_306 : memref<320xf32, #tpu.memory_space<vmem>>) dst(%dma_wait3A_304 : memref<320xf32, #tpu.memory_space<hbm>>)
      tpu.yield
    }) : () -> ()
    %add3A_293 = arith.constant 153600 : i32
    %add3A_294 = arith.addi %add3A_293, %mul3A_2 : i32
    "tpu.region"() ({
      %run_scoped3A = tpu.sem_alloc : memref<!tpu.dma_semaphore, #tpu.memory_space<semaphore_mem>>
      %dma_start3A_295 = arith.constant 4800 : i32
      %dma_start3A_296 = tpu.memref_slice %arg28[%dma_start3A_295] : memref<5120xf32, #tpu.memory_space<vmem>> -> memref<320xf32, #tpu.memory_space<vmem>>
      %dma_start3A_297 = tpu.memref_slice %arg11[%add3A_294] : memref<163840xf32, #tpu.memory_space<hbm>> -> memref<320xf32, #tpu.memory_space<hbm>>
      %dma_start3A_298 = tpu.memref_slice %arg11[%add3A_294] : memref<163840xf32, #tpu.memory_space<hbm>> -> memref<320xf32, #tpu.memory_space<hbm>>
      %dma_start3A_299 = arith.constant 4800 : i32
      %dma_start3A_300 = tpu.memref_slice %arg28[%dma_start3A_299] : memref<5120xf32, #tpu.memory_space<vmem>> -> memref<320xf32, #tpu.memory_space<vmem>>
      tpu.enqueue_dma source(%dma_start3A_300 : memref<320xf32, #tpu.memory_space<vmem>>) target(%dma_start3A_298 : memref<320xf32, #tpu.memory_space<hbm>>) target_semaphore(%run_scoped3A : memref<!tpu.dma_semaphore, #tpu.memory_space<semaphore_mem>>)
      %dma_wait3A_301 = arith.constant 4800 : i32
      %dma_wait3A_302 = tpu.memref_slice %arg28[%dma_wait3A_301] : memref<5120xf32, #tpu.memory_space<vmem>> -> memref<320xf32, #tpu.memory_space<vmem>>
      %dma_wait3A_303 = tpu.memref_slice %arg11[%add3A_294] : memref<163840xf32, #tpu.memory_space<hbm>> -> memref<320xf32, #tpu.memory_space<hbm>>
      %dma_wait3A_304 = tpu.memref_slice %arg11[%add3A_294] : memref<163840xf32, #tpu.memory_space<hbm>> -> memref<320xf32, #tpu.memory_space<hbm>>
      %dma_wait3A_305 = arith.constant 4800 : i32
      %dma_wait3A_306 = tpu.memref_slice %arg28[%dma_wait3A_305] : memref<5120xf32, #tpu.memory_space<vmem>> -> memref<320xf32, #tpu.memory_space<vmem>>
      tpu.wait_dma2 semaphore(%run_scoped3A : memref<!tpu.dma_semaphore, #tpu.memory_space<semaphore_mem>>) src(%dma_wait3A_306 : memref<320xf32, #tpu.memory_space<vmem>>) dst(%dma_wait3A_304 : memref<320xf32, #tpu.memory_space<hbm>>)
      tpu.yield
    }) : () -> ()
    "tpu.region"() ({
      %run_scoped3A = tpu.sem_alloc : memref<!tpu.dma_semaphore, #tpu.memory_space<semaphore_mem>>
      %dma_start3A_295 = arith.constant 0 : i32
      %dma_start3A_296 = tpu.memref_slice %arg12[%mul3A_2, %dma_start3A_295] : memref<10240x128xf32, #tpu.memory_space<hbm>> -> memref<320x128xf32, #tpu.memory_space<hbm>>
      %dma_start3A_297 = arith.constant 0 : i32
      %dma_start3A_298 = tpu.memref_slice %arg12[%mul3A_2, %dma_start3A_297] : memref<10240x128xf32, #tpu.memory_space<hbm>> -> memref<320x128xf32, #tpu.memory_space<hbm>>
      tpu.enqueue_dma source(%arg29 : memref<320x128xf32, #tpu.memory_space<vmem>>) target(%dma_start3A_298 : memref<320x128xf32, #tpu.memory_space<hbm>>) target_semaphore(%run_scoped3A : memref<!tpu.dma_semaphore, #tpu.memory_space<semaphore_mem>>)
      %dma_wait3A_299 = arith.constant 0 : i32
      %dma_wait3A_300 = tpu.memref_slice %arg12[%mul3A_2, %dma_wait3A_299] : memref<10240x128xf32, #tpu.memory_space<hbm>> -> memref<320x128xf32, #tpu.memory_space<hbm>>
      %dma_wait3A_301 = arith.constant 0 : i32
      %dma_wait3A_302 = tpu.memref_slice %arg12[%mul3A_2, %dma_wait3A_301] : memref<10240x128xf32, #tpu.memory_space<hbm>> -> memref<320x128xf32, #tpu.memory_space<hbm>>
      tpu.wait_dma2 semaphore(%run_scoped3A : memref<!tpu.dma_semaphore, #tpu.memory_space<semaphore_mem>>) src(%arg29 : memref<320x128xf32, #tpu.memory_space<vmem>>) dst(%dma_wait3A_302 : memref<320x128xf32, #tpu.memory_space<hbm>>)
      tpu.yield
    }) : () -> ()
    "tpu.region"() ({
      %run_scoped3A = tpu.sem_alloc : memref<!tpu.dma_semaphore, #tpu.memory_space<semaphore_mem>>
      %dma_start3A_295 = arith.constant 0 : i32
      %dma_start3A_296 = tpu.memref_slice %arg13[%mul3A_2, %dma_start3A_295] : memref<10240x128xf32, #tpu.memory_space<hbm>> -> memref<320x128xf32, #tpu.memory_space<hbm>>
      %dma_start3A_297 = arith.constant 0 : i32
      %dma_start3A_298 = tpu.memref_slice %arg13[%mul3A_2, %dma_start3A_297] : memref<10240x128xf32, #tpu.memory_space<hbm>> -> memref<320x128xf32, #tpu.memory_space<hbm>>
      tpu.enqueue_dma source(%arg30 : memref<320x128xf32, #tpu.memory_space<vmem>>) target(%dma_start3A_298 : memref<320x128xf32, #tpu.memory_space<hbm>>) target_semaphore(%run_scoped3A : memref<!tpu.dma_semaphore, #tpu.memory_space<semaphore_mem>>)
      %dma_wait3A_299 = arith.constant 0 : i32
      %dma_wait3A_300 = tpu.memref_slice %arg13[%mul3A_2, %dma_wait3A_299] : memref<10240x128xf32, #tpu.memory_space<hbm>> -> memref<320x128xf32, #tpu.memory_space<hbm>>
      %dma_wait3A_301 = arith.constant 0 : i32
      %dma_wait3A_302 = tpu.memref_slice %arg13[%mul3A_2, %dma_wait3A_301] : memref<10240x128xf32, #tpu.memory_space<hbm>> -> memref<320x128xf32, #tpu.memory_space<hbm>>
      tpu.wait_dma2 semaphore(%run_scoped3A : memref<!tpu.dma_semaphore, #tpu.memory_space<semaphore_mem>>) src(%arg30 : memref<320x128xf32, #tpu.memory_space<vmem>>) dst(%dma_wait3A_302 : memref<320x128xf32, #tpu.memory_space<hbm>>)
      tpu.yield
    }) : () -> ()
    return
  }
}

module attributes {stable_mosaic.version = 14 : i64} {
  func.func @_gru_block(%arg0: i32, %arg1: memref<512x128xf32, #tpu.memory_space<vmem>>, %arg2: memref<512x128xf32, #tpu.memory_space<vmem>>, %arg3: memref<16x512xf32, #tpu.memory_space<vmem>>, %arg4: memref<2x512xf32, #tpu.memory_space<vmem>>, %arg5: memref<1x100xf32, #tpu.memory_space<vmem>>, %arg6: memref<1x100xf32, #tpu.memory_space<vmem>>, %arg7: memref<128x384xf32, #tpu.memory_space<vmem>>, %arg8: memref<128x384xf32, #tpu.memory_space<vmem>>, %arg9: memref<16x384xf32, #tpu.memory_space<vmem>>, %arg10: memref<100x384xf32, #tpu.memory_space<vmem>>, %arg11: memref<128x384xf32, #tpu.memory_space<vmem>>, %arg12: memref<1x384xf32, #tpu.memory_space<vmem>>, %arg13: memref<1x384xf32, #tpu.memory_space<vmem>>, %arg14: memref<512x128xf32, #tpu.memory_space<vmem>>) attributes {dimension_semantics = [#tpu.dimension_semantics<arbitrary>], iteration_bounds = array<i64: 20>, scalar_prefetch = 0 : i64, scratch_operands = 0 : i64, tpu.core_type = #tpu.core_type<tc>, window_params = [{transform_indices = @transform_0, window_bounds = array<i64: 512, 128>}, {transform_indices = @transform_1, window_bounds = array<i64: 512, 128>}, {transform_indices = @transform_2, window_bounds = array<i64: 16, 512>}, {transform_indices = @transform_3, window_bounds = array<i64: 2, 512>}, {pipeline_mode = #tpu.pipeline_mode<synchronous>, transform_indices = @transform_4, window_bounds = array<i64: 1, 100>}, {pipeline_mode = #tpu.pipeline_mode<synchronous>, transform_indices = @transform_5, window_bounds = array<i64: 1, 100>}, {pipeline_mode = #tpu.pipeline_mode<synchronous>, transform_indices = @transform_6, window_bounds = array<i64: 128, 384>}, {pipeline_mode = #tpu.pipeline_mode<synchronous>, transform_indices = @transform_7, window_bounds = array<i64: 128, 384>}, {pipeline_mode = #tpu.pipeline_mode<synchronous>, transform_indices = @transform_8, window_bounds = array<i64: 16, 384>}, {pipeline_mode = #tpu.pipeline_mode<synchronous>, transform_indices = @transform_9, window_bounds = array<i64: 100, 384>}, {pipeline_mode = #tpu.pipeline_mode<synchronous>, transform_indices = @transform_10, window_bounds = array<i64: 128, 384>}, {pipeline_mode = #tpu.pipeline_mode<synchronous>, transform_indices = @transform_11, window_bounds = array<i64: 1, 384>}, {pipeline_mode = #tpu.pipeline_mode<synchronous>, transform_indices = @transform_12, window_bounds = array<i64: 1, 384>}, {transform_indices = @transform_13, window_bounds = array<i64: 512, 128>}]} {
    %get3A = arith.constant 0 : index
    %get3A_0 = arith.constant 0 : index
    %get3A_1 = vector.load %arg4[%get3A, %get3A_0] : memref<2x512xf32, #tpu.memory_space<vmem>>, vector<2x512xf32>
    %transpose3A = tpu.transpose %get3A_1, [1, 0] : vector<2x512xf32> -> vector<512x2xf32>
    %slice3A = vector.extract_strided_slice %transpose3A {offsets = [0, 0], sizes = [512, 1], strides = [1, 1]} : vector<512x2xf32> to vector<512x1xf32>
    %get3A_2 = arith.constant 0 : index
    %get3A_3 = arith.constant 0 : index
    %get3A_4 = vector.load %arg5[%get3A_2, %get3A_3] : memref<1x100xf32, #tpu.memory_space<vmem>>, vector<1x100xf32>
    %mul3A = vector.broadcast %slice3A : vector<512x1xf32> to vector<512x100xf32>
    %mul3A_5 = vector.broadcast %get3A_4 : vector<1x100xf32> to vector<512x100xf32>
    %mul3A_6 = arith.mulf %mul3A, %mul3A_5 : vector<512x100xf32>
    %slice3A_7 = vector.extract_strided_slice %transpose3A {offsets = [0, 1], sizes = [512, 1], strides = [1, 1]} : vector<512x2xf32> to vector<512x1xf32>
    %get3A_8 = arith.constant 0 : index
    %get3A_9 = arith.constant 0 : index
    %get3A_10 = vector.load %arg6[%get3A_8, %get3A_9] : memref<1x100xf32, #tpu.memory_space<vmem>>, vector<1x100xf32>
    %add3A = vector.broadcast %get3A_10 : vector<1x100xf32> to vector<512x100xf32>
    %add3A_11 = arith.addf %mul3A_6, %add3A : vector<512x100xf32>
    %cos3A = math.cos %add3A_11 : vector<512x100xf32>
    %get3A_12 = arith.constant 0 : index
    %get3A_13 = arith.constant 0 : index
    %get3A_14 = vector.load %arg2[%get3A_12, %get3A_13] : memref<512x128xf32, #tpu.memory_space<vmem>>, vector<512x128xf32>
    %get3A_15 = arith.constant 0 : index
    %get3A_16 = arith.constant 0 : index
    %get3A_17 = vector.load %arg1[%get3A_15, %get3A_16] : memref<512x128xf32, #tpu.memory_space<vmem>>, vector<512x128xf32>
    %get3A_18 = arith.constant 0 : index
    %get3A_19 = arith.constant 0 : index
    %get3A_20 = vector.load %arg7[%get3A_18, %get3A_19] : memref<128x384xf32, #tpu.memory_space<vmem>>, vector<128x384xf32>
    %dot_general3A = arith.constant dense<0.000000e+00> : vector<512x384xf32>
    %dot_general3A_21 = tpu.matmul %get3A_17, %get3A_20, %dot_general3A {dimension_numbers = #tpu.dot_dimension_numbers<[1], [0], [0], [1], [0, 0, 1, 1], [], []>, transpose_lhs_hint = false} : vector<512x128xf32>, vector<128x384xf32>, vector<512x384xf32> -> vector<512x384xf32>
    %get3A_22 = arith.constant 0 : index
    %get3A_23 = arith.constant 0 : index
    %get3A_24 = vector.load %arg8[%get3A_22, %get3A_23] : memref<128x384xf32, #tpu.memory_space<vmem>>, vector<128x384xf32>
    %dot_general3A_25 = arith.constant dense<0.000000e+00> : vector<512x384xf32>
    %dot_general3A_26 = tpu.matmul %get3A_14, %get3A_24, %dot_general3A_25 {dimension_numbers = #tpu.dot_dimension_numbers<[1], [0], [0], [1], [0, 0, 1, 1], [], []>, transpose_lhs_hint = false} : vector<512x128xf32>, vector<128x384xf32>, vector<512x384xf32> -> vector<512x384xf32>
    %add3A_27 = arith.addf %dot_general3A_21, %dot_general3A_26 : vector<512x384xf32>
    %get3A_28 = arith.constant 0 : index
    %get3A_29 = arith.constant 0 : index
    %get3A_30 = vector.load %arg3[%get3A_28, %get3A_29] : memref<16x512xf32, #tpu.memory_space<vmem>>, vector<16x512xf32>
    %get3A_31 = arith.constant 0 : index
    %get3A_32 = arith.constant 0 : index
    %get3A_33 = vector.load %arg9[%get3A_31, %get3A_32] : memref<16x384xf32, #tpu.memory_space<vmem>>, vector<16x384xf32>
    %dot_general3A_34 = arith.constant dense<0.000000e+00> : vector<512x384xf32>
    %dot_general3A_35 = tpu.matmul %get3A_30, %get3A_33, %dot_general3A_34 {dimension_numbers = #tpu.dot_dimension_numbers<[0], [0], [1], [1], [0, 1, 1, 1], [], []>, transpose_lhs_hint = false} : vector<16x512xf32>, vector<16x384xf32>, vector<512x384xf32> -> vector<512x384xf32>
    %add3A_36 = arith.addf %add3A_27, %dot_general3A_35 : vector<512x384xf32>
    %get3A_37 = arith.constant 0 : index
    %get3A_38 = arith.constant 0 : index
    %get3A_39 = vector.load %arg10[%get3A_37, %get3A_38] : memref<100x384xf32, #tpu.memory_space<vmem>>, vector<100x384xf32>
    %dot_general3A_40 = arith.constant dense<0.000000e+00> : vector<512x384xf32>
    %dot_general3A_41 = tpu.matmul %cos3A, %get3A_39, %dot_general3A_40 {dimension_numbers = #tpu.dot_dimension_numbers<[1], [0], [0], [1], [0, 0, 1, 1], [], []>, transpose_lhs_hint = false} : vector<512x100xf32>, vector<100x384xf32>, vector<512x384xf32> -> vector<512x384xf32>
    %add3A_42 = arith.addf %add3A_36, %dot_general3A_41 : vector<512x384xf32>
    %get3A_43 = arith.constant 0 : index
    %get3A_44 = arith.constant 0 : index
    %get3A_45 = vector.load %arg12[%get3A_43, %get3A_44] : memref<1x384xf32, #tpu.memory_space<vmem>>, vector<1x384xf32>
    %add3A_46 = vector.broadcast %get3A_45 : vector<1x384xf32> to vector<512x384xf32>
    %add3A_47 = arith.addf %add3A_42, %add3A_46 : vector<512x384xf32>
    %get3A_48 = arith.constant 0 : index
    %get3A_49 = arith.constant 0 : index
    %get3A_50 = vector.load %arg11[%get3A_48, %get3A_49] : memref<128x384xf32, #tpu.memory_space<vmem>>, vector<128x384xf32>
    %dot_general3A_51 = arith.constant dense<0.000000e+00> : vector<512x384xf32>
    %dot_general3A_52 = tpu.matmul %get3A_14, %get3A_50, %dot_general3A_51 {dimension_numbers = #tpu.dot_dimension_numbers<[1], [0], [0], [1], [0, 0, 1, 1], [], []>, transpose_lhs_hint = false} : vector<512x128xf32>, vector<128x384xf32>, vector<512x384xf32> -> vector<512x384xf32>
    %get3A_53 = arith.constant 0 : index
    %get3A_54 = arith.constant 0 : index
    %get3A_55 = vector.load %arg13[%get3A_53, %get3A_54] : memref<1x384xf32, #tpu.memory_space<vmem>>, vector<1x384xf32>
    %add3A_56 = vector.broadcast %get3A_55 : vector<1x384xf32> to vector<512x384xf32>
    %add3A_57 = arith.addf %dot_general3A_52, %add3A_56 : vector<512x384xf32>
    %slice3A_58 = vector.extract_strided_slice %add3A_47 {offsets = [0, 0], sizes = [512, 128], strides = [1, 1]} : vector<512x384xf32> to vector<512x128xf32>
    %slice3A_59 = vector.extract_strided_slice %add3A_57 {offsets = [0, 0], sizes = [512, 128], strides = [1, 1]} : vector<512x384xf32> to vector<512x128xf32>
    %add3A_60 = arith.addf %slice3A_58, %slice3A_59 : vector<512x128xf32>
    %logistic3A = arith.negf %add3A_60 : vector<512x128xf32>
    %logistic3A_61 = math.exp %logistic3A : vector<512x128xf32>
    %logistic3A_62 = arith.constant 1.000000e+00 : f32
    %logistic3A_63 = vector.broadcast %logistic3A_62 : f32 to vector<512x128xf32>
    %logistic3A_64 = arith.addf %logistic3A_63, %logistic3A_61 : vector<512x128xf32>
    %logistic3A_65 = arith.divf %logistic3A_63, %logistic3A_64 : vector<512x128xf32>
    %slice3A_66 = vector.extract_strided_slice %add3A_47 {offsets = [0, 128], sizes = [512, 128], strides = [1, 1]} : vector<512x384xf32> to vector<512x128xf32>
    %slice3A_67 = vector.extract_strided_slice %add3A_57 {offsets = [0, 128], sizes = [512, 128], strides = [1, 1]} : vector<512x384xf32> to vector<512x128xf32>
    %add3A_68 = arith.addf %slice3A_66, %slice3A_67 : vector<512x128xf32>
    %logistic3A_69 = arith.negf %add3A_68 : vector<512x128xf32>
    %logistic3A_70 = math.exp %logistic3A_69 : vector<512x128xf32>
    %logistic3A_71 = arith.constant 1.000000e+00 : f32
    %logistic3A_72 = vector.broadcast %logistic3A_71 : f32 to vector<512x128xf32>
    %logistic3A_73 = arith.addf %logistic3A_72, %logistic3A_70 : vector<512x128xf32>
    %logistic3A_74 = arith.divf %logistic3A_72, %logistic3A_73 : vector<512x128xf32>
    %slice3A_75 = vector.extract_strided_slice %add3A_47 {offsets = [0, 256], sizes = [512, 128], strides = [1, 1]} : vector<512x384xf32> to vector<512x128xf32>
    %slice3A_76 = vector.extract_strided_slice %add3A_57 {offsets = [0, 256], sizes = [512, 128], strides = [1, 1]} : vector<512x384xf32> to vector<512x128xf32>
    %mul3A_77 = arith.mulf %logistic3A_65, %slice3A_76 : vector<512x128xf32>
    %add3A_78 = arith.addf %slice3A_75, %mul3A_77 : vector<512x128xf32>
    %tanh3A = math.tanh %add3A_78 : vector<512x128xf32>
    %sub3A = arith.constant 1.000000e+00 : f32
    %sub3A_79 = vector.broadcast %sub3A : f32 to vector<512x128xf32>
    %sub3A_80 = arith.subf %sub3A_79, %logistic3A_74 : vector<512x128xf32>
    %mul3A_81 = arith.mulf %sub3A_80, %tanh3A : vector<512x128xf32>
    %mul3A_82 = arith.mulf %logistic3A_74, %get3A_14 : vector<512x128xf32>
    %add3A_83 = arith.addf %mul3A_81, %mul3A_82 : vector<512x128xf32>
    %ne3A = arith.constant 0.000000e+00 : f32
    %ne3A_84 = vector.broadcast %ne3A : f32 to vector<512x1xf32>
    %ne3A_85 = arith.cmpf one, %slice3A_7, %ne3A_84 : vector<512x1xf32>
    %broadcast_in_dim3A = vector.shape_cast %ne3A_85 : vector<512x1xi1> to vector<512x1xi1>
    %broadcast_in_dim3A_86 = vector.broadcast %broadcast_in_dim3A : vector<512x1xi1> to vector<512x128xi1>
    %select_n3A = arith.select %broadcast_in_dim3A_86, %add3A_83, %get3A_14 : vector<512x128xi1>, vector<512x128xf32>
    %swap3A = arith.constant 0 : index
    %swap3A_87 = arith.constant 0 : index
    %swap3A_88 = vector.load %arg14[%swap3A, %swap3A_87] : memref<512x128xf32, #tpu.memory_space<vmem>>, vector<512x128xf32>
    tpu.vector_store %arg14[%swap3A, %swap3A_87], %select_n3A {strides = array<i32>} : memref<512x128xf32, #tpu.memory_space<vmem>>, vector<512x128xf32>,
    return
  }
  func.func @transform_0(%arg0: i32) -> (i32, i32) {
    %c0_i32 = arith.constant 0 : i32
    %c0_i32_0 = arith.constant 0 : i32
    return %arg0, %c0_i32 : i32, i32
  }
  func.func @transform_1(%arg0: i32) -> (i32, i32) {
    %c0_i32 = arith.constant 0 : i32
    %c0_i32_0 = arith.constant 0 : i32
    return %arg0, %c0_i32 : i32, i32
  }
  func.func @transform_2(%arg0: i32) -> (i32, i32) {
    %c0_i32 = arith.constant 0 : i32
    %c0_i32_0 = arith.constant 0 : i32
    return %c0_i32, %arg0 : i32, i32
  }
  func.func @transform_3(%arg0: i32) -> (i32, i32) {
    %c0_i32 = arith.constant 0 : i32
    %c0_i32_0 = arith.constant 0 : i32
    return %c0_i32, %arg0 : i32, i32
  }
  func.func @transform_4(%arg0: i32) -> (i32, i32) {
    %c0_i32 = arith.constant 0 : i32
    %c0_i32_0 = arith.constant 0 : i32
    %c0_i32_1 = arith.constant 0 : i32
    return %c0_i32, %c0_i32_0 : i32, i32
  }
  func.func @transform_5(%arg0: i32) -> (i32, i32) {
    %c0_i32 = arith.constant 0 : i32
    %c0_i32_0 = arith.constant 0 : i32
    %c0_i32_1 = arith.constant 0 : i32
    return %c0_i32, %c0_i32_0 : i32, i32
  }
  func.func @transform_6(%arg0: i32) -> (i32, i32) {
    %c0_i32 = arith.constant 0 : i32
    %c0_i32_0 = arith.constant 0 : i32
    %c0_i32_1 = arith.constant 0 : i32
    return %c0_i32, %c0_i32_0 : i32, i32
  }
  func.func @transform_7(%arg0: i32) -> (i32, i32) {
    %c0_i32 = arith.constant 0 : i32
    %c0_i32_0 = arith.constant 0 : i32
    %c0_i32_1 = arith.constant 0 : i32
    return %c0_i32, %c0_i32_0 : i32, i32
  }
  func.func @transform_8(%arg0: i32) -> (i32, i32) {
    %c0_i32 = arith.constant 0 : i32
    %c0_i32_0 = arith.constant 0 : i32
    %c0_i32_1 = arith.constant 0 : i32
    return %c0_i32, %c0_i32_0 : i32, i32
  }
  func.func @transform_9(%arg0: i32) -> (i32, i32) {
    %c0_i32 = arith.constant 0 : i32
    %c0_i32_0 = arith.constant 0 : i32
    %c0_i32_1 = arith.constant 0 : i32
    return %c0_i32, %c0_i32_0 : i32, i32
  }
  func.func @transform_10(%arg0: i32) -> (i32, i32) {
    %c0_i32 = arith.constant 0 : i32
    %c0_i32_0 = arith.constant 0 : i32
    %c0_i32_1 = arith.constant 0 : i32
    return %c0_i32, %c0_i32_0 : i32, i32
  }
  func.func @transform_11(%arg0: i32) -> (i32, i32) {
    %c0_i32 = arith.constant 0 : i32
    %c0_i32_0 = arith.constant 0 : i32
    %c0_i32_1 = arith.constant 0 : i32
    return %c0_i32, %c0_i32_0 : i32, i32
  }
  func.func @transform_12(%arg0: i32) -> (i32, i32) {
    %c0_i32 = arith.constant 0 : i32
    %c0_i32_0 = arith.constant 0 : i32
    %c0_i32_1 = arith.constant 0 : i32
    return %c0_i32, %c0_i32_0 : i32, i32
  }
  func.func @transform_13(%arg0: i32) -> (i32, i32) {
    %c0_i32 = arith.constant 0 : i32
    %c0_i32_0 = arith.constant 0 : i32
    return %arg0, %c0_i32 : i32, i32
  }
}

</mosaic_0001>

<sc_bundles>
// kernel: kernel.5.cloned.1.call-start
scs
__scs_entry_jumppad:
0x0: {  	(pc) =	sbr.rel $0x88, $3  }
0x1: {  	(tag) =	ssettag $0x0;
	lr =	simm.s32 $0x1  }
0x2: {  	[smem:$0x3F94] =	sst lr;
	_ =	strace $0xD0000000  }
0x3: {  	_ = 	snop  }
0x4: {  	_ = 	snop  }
0x5: {  	_ = 	snop  }
0x6: {  	_ = 	snop  }
0x7: {  	_ = 	snop  }
__scs_overlays_trampoline_lowered:
0x8: {  	[smem:$0x3FA3] =	sst s0  }
0x9: {  	[smem:$0x3FA4] =	sst s1  }
0xa: {  	[smem:$0x3FA5] =	sst s2  }
0xb: {  	[smem:$0x3FA6] =	sst s3  }
0xc: {  	[smem:$0x3FA7] =	sst s4  }
0xd: {  	[smem:$0x3FA8] =	sst s5  }
0xe: {  	[smem:$0x3FA9] =	sst s6  }
0xf: {  	[smem:$0x3FAA] =	sst s7  }
0x10: {  	[smem:$0x3FAB] =	sst s8  }
0x11: {  	[smem:$0x3FAC] =	sst s9;
	s0 =	simm.s32 @!p0 $0x0  }
0x12: {  	s1 =	sld [smem:$0x3F92];
	s0 =	simm.s32 @p0 $0x1  }
0x13: {  	[smem:$0x3FAD] =	sst s0;
	s0 =	simm.s32 @!p1 $0x0  }
0x14: {  	s2 =	sld [smem:$0x3F91];
	s0 =	simm.s32 @p1 $0x1  }
0x15: {  	[smem:$0x3FAE] =	sst s0;
	s0 =	simm.s32 @!p2 $0x0  }
0x16: {  	s3 =	sld [smem:$0x3FDB];
	s0 =	simm.s32 @p2 $0x1  }
0x17: {  	s4 =	simm.s32 $0x1BF5;
	[smem:$0x3FB0] =	sst s0  }
0x18: {  	s0 =	sld [smem:$0x3F93];
	_ =	swait.ge [sflag:s4], $0x0  }
0x19: {  	s7 =	sld [smem:$0x3F94]  }
0x1a: {  	s8 =	sadd.s32 $0xFFFFE003, lr  }
0x1b: {  	s9 =	sadd.s32 $0xFFFFFEF7, lr;
	s5 =	simm.s32 $0xFFFFFFFF;
	p2 =	slt.u32 s8, $0xFFFFF086  }
0x1c: {  	p1 =	slt.u32 s9, $0xF7A;
	s5 =	simm.s32 @!p2 $0x0  }
0x1d: {  	s5 =	simm.s32 @p1 $0x1;
	p0 =	seq.s32 s7, s2  }
0x1e: {  	s7 =	smul.u32 @!p0 $0xF7A, s2;
	p2 =	seq.s32 @!p0 s5, $0x0  }
0x1f: {  	s9 =	smul.u32 $0xF7A, s1;
	s8 =	simm.s32 @!p0 $0x1BF5;
	p2 =	por !p2, p0  }
0x20: {  	[sflag:s8] =	ssyncset.s32 @!p0 $0xFFFFF086;
	s6 =	sadd.s32 @!p0 s3, s7;
	s7 =	simm.s32 @!p0 $0x108  }
0x21: {  	s3 =	sadd.s32 s3, s9;
	s6 =	sadd.s32 @!p0 $0x88, s6;
	s7 =	simm.s32 @p2 $0x1082  }
0x22: {  	[simem:s7], [sflag:s8] =	dma.local @!p0 [hbm:s6], $0xF7A  }
0x23: {  	s9 =	sor.u32 $0xD0000000, s2;
	s6 =	simm.s32 $0x108;
	_ =	swait.ge @!p0 [sflag:s8], $0x0  }
0x24: {  	s3 =	sadd.s32 $0x88, s3;
	s6 =	simm.s32 @!p1 $0x1082;
	[sflag:s4] =	ssyncset.s32 $0xFFFFF086  }
0x25: {  	[simem:s6], [sflag:s4] =	dma.local [hbm:s3], $0xF7A  }
0x26: {  	[smem:$0x3F94] =	sst s1;
	(tag) =	ssettag s2;
	_ =	strace s9  }
0x27: {  	s1 =	sld [smem:$0x3FA4]  }
0x28: {  	s2 =	sld [smem:$0x3FA5]  }
0x29: {  	s4 =	sld [smem:$0x3FA7]  }
0x2a: {  	p0 =	seq.s32 s5, $0x0;
	s5 =	sld [smem:$0x3FA8]  }
0x2b: {  	s6 =	sld [smem:$0x3FA9]  }
0x2c: {  	s7 =	sld [smem:$0x3FAA]  }
0x2d: {  	s3 =	simm.s32 $0x108;
	s8 =	sld [smem:$0x3FAB]  }
0x2e: {  	s3 =	simm.s32 @!p0 $0x1082;
	s9 =	sld [smem:$0x3FAC]  }
0x2f: {  	lr =	sadd.s32 s0, s3;
	s0 =	sld [smem:$0x3FA3]  }
0x30: {  	s3 =	sld [smem:$0x3FA6]  }
0x31: {  	[smem:$0x3FAF] =	sst s10  }
0x32: {  	s10 =	sld [smem:$0x3FAD];
	_ =	sdelay $0x3  }
0x33: {  	p0 =	seq.s32 s10, $0x1;
	s10 =	sld [smem:$0x3FAF];
	_ =	sdelay $0x3  }
0x34: {  	[smem:$0x3FAF] =	sst s10  }
0x35: {  	s10 =	sld [smem:$0x3FAE];
	_ =	sdelay $0x3  }
0x36: {  	p1 =	seq.s32 s10, $0x1;
	s10 =	sld [smem:$0x3FAF];
	_ =	sdelay $0x3  }
0x37: {  	[smem:$0x3FAF] =	sst s10  }
0x38: {  	s10 =	sld [smem:$0x3FB0]  }
0x39: {  	_ = 	snop;
	(pc) =	sbr.ind lr, $3  }
0x3a: {  	_ = 	snop  }
0x3b: {  	_ = 	snop  }
0x3c: {  	p2 =	seq.s32 s10, $0x1;
	s10 =	sld [smem:$0x3FAF]  }
0x3d: {  	_ =	shalt  }
0x3e: {  	_ =	shalt  }
0x3f: {  	_ =	shalt  }
0x40: {  	_ =	shalt  }
0x41: {  	_ =	shalt  }
0x42: {  	_ =	shalt  }
0x43: {  	_ =	shalt  }
0x44: {  	_ =	shalt  }
0x45: {  	_ =	shalt  }
0x46: {  	_ =	shalt  }
0x47: {  	_ =	shalt  }
0x48: {  	_ =	shalt  }
0x49: {  	_ =	shalt  }
0x4a: {  	_ =	shalt  }
0x4b: {  	_ =	shalt  }
0x4c: {  	_ =	shalt  }
0x4d: {  	_ =	shalt  }
0x4e: {  	_ =	shalt  }
0x4f: {  	_ =	shalt  }
0x50: {  	_ =	shalt  }
0x51: {  	_ =	shalt  }
0x52: {  	_ =	shalt  }
0x53: {  	_ =	shalt  }
0x54: {  	_ =	shalt  }
0x55: {  	_ =	shalt  }
0x56: {  	_ =	shalt  }
0x57: {  	_ =	shalt  }
0x58: {  	_ =	shalt  }
0x59: {  	_ =	shalt  }
0x5a: {  	_ =	shalt  }
0x5b: {  	_ =	shalt  }
0x5c: {  	_ =	shalt  }
0x5d: {  	_ =	shalt  }
0x5e: {  	_ =	shalt  }
0x5f: {  	_ =	shalt  }
0x60: {  	_ =	shalt  }
0x61: {  	_ =	shalt  }
0x62: {  	_ =	shalt  }
0x63: {  	_ =	shalt  }
0x64: {  	_ =	shalt  }
0x65: {  	_ =	shalt  }
0x66: {  	_ =	shalt  }
0x67: {  	_ =	shalt  }
0x68: {  	_ =	shalt  }
0x69: {  	_ =	shalt  }
0x6a: {  	_ =	shalt  }
0x6b: {  	_ =	shalt  }
0x6c: {  	_ =	shalt  }
0x6d: {  	_ =	shalt  }
0x6e: {  	_ =	shalt  }
0x6f: {  	_ =	shalt  }
0x70: {  	_ =	shalt  }
0x71: {  	_ =	shalt  }
0x72: {  	_ =	shalt  }
0x73: {  	_ =	shalt  }
0x74: {  	_ =	shalt  }
0x75: {  	_ =	shalt  }
0x76: {  	_ =	shalt  }
0x77: {  	_ =	shalt  }
0x78: {  	_ =	shalt  }
0x79: {  	_ =	shalt  }
0x7a: {  	_ =	shalt  }
0x7b: {  	_ =	shalt  }
0x7c: {  	_ =	shalt  }
0x7d: {  	_ =	shalt  }
0x7e: {  	_ =	shalt  }
0x7f: {  	_ =	shalt  }
0x80: {  	_ =	shalt  }
0x81: {  	_ =	shalt  }
0x82: {  	_ =	shalt  }
0x83: {  	_ =	shalt  }
0x84: {  	_ =	shalt  }
0x85: {  	_ =	shalt  }
0x86: {  	_ =	shalt  }
0x87: {  	_ =	shalt  }
.Lfunc_end0:
.L_simem_size_0:
called_computation_lowered:
.L_overlay_start_0:
0x88: {  	s2 =	sld [smem:$0x3FD9]  }
0x89: {  	s3 =	sld [smem:$0x3FFE];
	_ =	sdelay $0x1  }
0x8a: {  	s1 =	srdreg.scid  }
0x8b: {  	s0 =	sand.u32 $0x1, s1  }
0x8c: {  	s14 =	sshll.u32 s0, $0xA;
	s2 =	sadd.s32 s3, s2  }
0x8d: {  	s2 =	sadd.s32 s2, s14  }
0x8e: {  	[smem:$0x3FBB] =	sst s2  }
0x8f: {  	_ = 	snop  }
0x90: {  	s2 =	sld [smem:$0x3FD0];
	_ =	sdelay $0x1  }
0x91: {  	s15 =	sld [smem:$0x3FC7]  }
0x92: {  	s5 =	simm.s32 $0xA;
	s6 =	simm.s32 $0x10;
	s4 =	sld [smem:$0x3FBD]  }
0x93: {  	[smem:s6], [sflag:s5] =	dma.local [hbm:s2], $0x1  }
0x94: {  	_ =	swait.eq [sflag:s5], $0x1  }
0x95: {  	[sflag:s5] =	ssyncset.done $0x0  }
0x96: {  	[sflag:s5] =	ssyncadd.s32 $0xFFFFFFFF  }
0x97: {  	s16 =	sld [smem:$0x10];
	(tm) =	ssettm $0x1  }
0x98: {  	s17 =	sld [smem:$0x3FFB];
	_ =	sdelay $0x3  }
0x99: {  	_ =	strace s17  }
0x9a: {  	s5 =	sld [smem:$0x3FFC];
	_ =	sdelay $0x3  }
0x9b: {  	_ =	strace s5  }
0x9c: {  	s5 =	sld [smem:$0x3FFD];
	_ =	sdelay $0x3  }
0x9d: {  	_ =	strace s5  }
0x9e: {  	_ =	strace $0x8FFFFFFF  }
0x9f: {  	s18 =	sld [smem:$0x3FDB];
	_ =	sdelay $0x1  }
0xa0: {  	s19 =	simm.s32 $_scs_section_size  }
0xa1: {  	s7 =	simm.s32 $_size__tile_overlayer_lowered;
	s8 =	simm.s32 $_tile_overlayer_lowered  }
0xa2: {  	s22 =	simm.s32 $0x1BFF;
	s21 =	sshll.u32 s8, $0x1;
	s5 =	sadd.s32 s19, s18  }
0xa3: {  	s9 =	simm.s32 $0x0;
	s20 =	sshll.u32 s7, $0x1;
	s7 =	sadd.s32 s21, s5  }
0xa4: {  	[timem:s9], [sflag:s22] =	dma.local [hbm:s7], s20  }
0xa5: {  	_ =	swait.ge [sflag:s22], s20  }
0xa6: {  	s6 =	ssub.s32 $0x0, s20;
	[sflag:s22] =	ssyncset.done $0x0  }
0xa7: {  	[sflag:s22] =	ssyncadd.s32 s6;
	_ =	sdelay $0x1  }
0xa8: {  	s23 =	simm.s32 $0x1B8B  }
0xa9: {  	_ =	swait.ge [sflag:s23], $0x1  }
0xaa: {  	[sflag:s23] =	ssyncset.done $0x0  }
0xab: {  	s25 =	simm.s32 $0x1B8E;
	s24 =	sld [smem:$0x3FFE];
	[sflag:s23] =	ssyncadd.s32 $0xFFFFFFFF  }
0xac: {  	s26 =	simm.s32 $execute0_lowered;
	[smem:$0x3FD2] =	sst s25  }
0xad: {  	s7 =	sshll.u32 s26, $0x1;
	_ =	strace $0x80000046;
	[dreg:$0x1] =	wrdreg $0xFFFFFFFF  }
0xae: {  	s28 =	simm.s32 $_size_execute0_lowered;
	s5 =	sadd.s32 s5, s7;
	[dreg:$0x0] =	wrdreg $0x0  }
0xaf: {  	s7 =	sshll.u32 s28, $0x1;
	[dreg:$0x2] =	wrdreg s5  }
0xb0: {  	[dreg:$0x3] =	wrdreg s7  }
0xb1: {  	[dreg:$0x4] =	wrdreg $0xC0  }
0xb2: {  	_ =	task [dreg:s9], $0x5FFFF  }
0xb3: {  	[dreg:$0x1] =	wrdreg $0xFFFFFFFF  }
0xb4: {  	[dreg:$0x0] =	wrdreg $0x60  }
0xb5: {  	[dreg:$0x2] =	wrdreg s15  }
0xb6: {  	[dreg:$0x3] =	wrdreg s4  }
0xb7: {  	[dreg:$0x4] =	wrdreg s16  }
0xb8: {  	[dreg:$0x5] =	wrdreg s24  }
0xb9: {  	[dreg:$0x6] =	wrdreg $0x9  }
0xba: {  	_ =	task.clear_ibuf [dreg:s9], $0x7FFFF;
	_ =	strace $0x90000046  }
0xbb: {  	s29 =	simm.s32 $0x9;
	_ =	strace $0x80000048  }
0xbc: {  	_ =	swait.ge [sflag:s29], $0x1  }
0xbd: {  	[sflag:s29] =	ssyncadd.s32 $0xFFFFFFFF  }
0xbe: {  	_ =	strace $0x90000048  }
0xbf: {  	_ =	sfence  }
0xc0: {  	s30 =	sld [smem:$0x0];
	_ =	sdelay $0x2  }
0xc1: {  	s31 =	sshll.u32 s1, $0xD;
	s1 =	sshrl.u32 s1, $0x2  }
0xc2: {  	s3 =	sand.u32 $0x4000, s31;
	s1 =	sadd.s32 s1, s30  }
0xc3: {  	s0 =	sor.u32 s3, s0;
	s1 =	sshll.u32 s1, $0x11  }
0xc4: {  	s0 =	sor.u32 s1, s0  }
0xc5: {  	s0 =	sadd.s32 $0x8F2B, s0  }
0xc6: {  	[sflag:s0] =	ssyncadd.remote.s32 $0x1  }
0xc7: {  	_ =	sfence.sel $0xFFFF  }
0xc8: {  	[dreg:$0x0] =	wrdreg $0xFFFFFFFF;
	(pc) =	sbr.abs _section_cstart, $3  }
0xc9: {  	[dreg:$0x1] =	wrdreg $0xFFFFFFFF  }
0xca: {  	_ =	task.clear_ibuf [dreg:s9], $0x2FFFF;
	_ =	strace $0x9FFFFFFF  }
0xcb: {  	(tm) =	ssettm $0x7FFFFFFF  }
tec
execute0_lowered:
.L_overlay_start_1:
0x0: {  	(tag) =	ssettag $0x1  }
0x1: {  	s4 =	rddreg [dreg:$0x0]  }
0x2: {  	s5 =	rddreg [dreg:$0x1]  }
0x3: {  	s1 =	srdreg.scid;
	s0 =	stileid.u32  }
0x4: {  	s6 =	rddreg [dreg:$0x2];
	s7 =	sand.u32 $0x1, s1;
	s31 =	sshll.u32 s0, $0x1  }
0x5: {  	s8 =	rddreg [dreg:$0x3];
	s2 =	simm.s32 $0x0;
	s9 =	sor.u32 s7, s31  }
0x6: {  	s12 =	simm.s32 $0x7700;
	s13 =	simm.s32 $0x0;
	s3 =	smul.u32 $0x2710, s9  }
0x7: {  	s1 =	rddreg [dreg:$0x4];
	s7 =	ssub.s32 $0x2, s7;
	s9 =	smul.u32 $0x500, s9  }
.Ltmp0:
0x8: {  	[smem:$0x7FF] =	sst s2;
	s10 =	sshrl.u32 s7, $0x1;
	(pc) =	sbr.rel .LBB2_1-.Ltmp0, $4  }
0x9: {  	_ =	strace $0x80000047;
	s10 =	ssub.s32 s7, s10;
	s11 =	sshrl.u32 s3, $0x3  }
0xa: {  	s8 =	sadd.s32 s9, s8;
	s6 =	sadd.s32 s6, s9;
	s9 =	simm.s32 $0x1  }
0xb: {  	s4 =	sadd.s32 s4, s11;
	s5 =	sadd.s32 s5, s11;
	s7 =	sadd.s32 $0x2400, s8  }
0xc: {  	v0 =	vimm.f32 $-Inf;
	v1 =	vimm.s32 $0xFFFFFFFF;
	v2 =	vlaneseq.u32;
	s8 =	smax.u32 s10, $0x1;
	s10 =	simm.s32 $0x2780;
	s11 =	simm.s32 $0x4F00  }
.LBB2_9:
0xd: {  	[hbm4b:s6+s2] =	stream.linear.scatter [tilespmem:s11], [sflag:$0x1], $0x2800, $0x38;
	[tilespmem:$0x9F00] =	vst v63  }
0xe: {  	s13 =	sadd.s32 $0x1, s13;
	_ =	swait.ge [sflag:s9], $0x2800  }
0xf: {  	p0 =	sne.s32 s13, s8;
	[sflag:s9] =	ssyncset.done $0x0  }
.Ltmp1:
0x10: {  	[sflag:s9] =	ssyncadd.s32 $0xFFFFD800;
	(pc) =	sbr.rel @!p0 .LBB2_10-.Ltmp1, $4  }
0x11: {  	[hbm4b:s7+s2] =	stream.linear.scatter [tilespmem:s12], [sflag:$0x1], $0x2800, $0x38;
	[tilespmem:$0x9F00] =	vst v63  }
0x12: {  	_ =	swait.ge [sflag:s9], $0x2800  }
0x13: {  	[sflag:s9] =	ssyncset.done $0x0  }
0x14: {  	[sflag:s9] =	ssyncadd.s32 $0xFFFFD800  }
.LBB2_1:
0x15: {  	[tilespmem:s2], [sflag:$0x1] =	stream.linear.gather [hbm4b:s4+s2], $0x2710, $0x38;
	[tilespmem:$0x9F00] =	vst v63  }
0x16: {  	_ =	swait.ge [sflag:s9], $0x2710  }
0x17: {  	[sflag:s9] =	ssyncset.done $0x0  }
0x18: {  	[sflag:s9] =	ssyncadd.s32 $0xFFFFD8F0  }
0x19: {  	[tilespmem:s10], [sflag:$0x1] =	stream.linear.gather [hbm4b:s5+s2], $0x2710, $0x38;
	[tilespmem:$0x9F00] =	vst v63  }
0x1a: {  	_ =	swait.ge [sflag:s9], $0x2710  }
0x1b: {  	[sflag:s9] =	ssyncset.done $0x0  }
0x1c: {  	s14 =	simm.s32 $0x0;
	[sflag:s9] =	ssyncadd.s32 $0xFFFFD8F0  }
.LBB2_2:
0x1d: {  	p0 =	sne.s32 s14, $0x9FC0  }
.Ltmp2:
0x1e: {  	_ = 	snop;
	(pc) =	sbr.rel @p0 .LBB2_2-.Ltmp2, $4  }
0x1f: {  	_ = 	snop  }
0x20: {  	s15 =	sshra.s32 s14, $0x2  }
0x21: {  	[tilespmem:s15+$0x4F00] =	vst v0  }
0x22: {  	s14 =	sadd.s32 $0x40, s14;
	[tilespmem:s15+$0x7700] =	vst v1  }
.Ltmp3:
0x23: {  	(pc) =	sbr.rel .LBB2_4-.Ltmp3, $2  }
0x24: {  	_ =	sdelay $0x2  }
0x25: {  	s14 =	simm.s32 $0x0  }
.LBB2_8:
0x26: {  	s14 =	sadd.s32 $0x1, s14  }
0x27: {  	p0 =	sne.s32 s14, $0x271  }
.Ltmp4:
0x28: {  	_ = 	snop;
	(pc) =	sbr.rel @!p0 .LBB2_9-.Ltmp4, $1  }
0x29: {  	_ =	sdelay $0x3  }
.LBB2_4:
0x2a: {  	s15 =	sshll.u32 s14, $0x4  }
0x2b: {  	v3 =	vld [tilespmem:s15+$0x2780];
	_ =	sdelay $0x6  }
0x2c: {  	v4 =	vld [tilespmem:s15+$0x0]  }
0x2d: {  	v6 =	vld.idx.msk [tilespmem:v3+s11+$0x0], $0xffff  }
0x2e: {  	v7 =	vld.idx.msk [tilespmem:v3+s12+$0x0], $0xffff;
	_ =	sdelay $0x2  }
0x2f: {  	s15 =	sadd.s32 s3, s15  }
0x30: {  	v5 =	vor.u32 s15, v2  }
0x31: {  	vm0 =	veq.f32 v4, v6;
	vm1 =	vgt.s32 v5, v7  }
0x32: {  	vm2 =	vgt.f32 v4, v6;
	vm0 =	vmand vm0, vm1  }
0x33: {  	vm0 =	vmor vm2, vm0;
	_ =	sdelay $0x5  }
0x34: {  	[tilespmem:v3+s11+$0x0] =	vst.idx.msk vm0, v4  }
0x35: {  	[tilespmem:v3+s12+$0x0] =	vst.idx.msk vm0, v5  }
0x36: {  	v6 =	vld.idx.msk [tilespmem:v3+s11+$0x0], $0xffff  }
0x37: {  	v7 =	vld.idx.msk [tilespmem:v3+s12+$0x0], $0xffff;
	_ =	sdelay $0x4  }
0x38: {  	vm13 =	veq.f32 v4, v6;
	vm14 =	vgt.s32 v5, v7  }
0x39: {  	vm15 =	vgt.f32 v4, v6;
	vm0 =	vmand vm13, vm14  }
0x3a: {  	vm0 =	vmor vm15, vm0  }
0x3b: {  	v6 =	vmpcnt.ones.xlane vm0;
	_ =	sdelay $0x1  }
0x3c: {  	(v2sf) =	vpush v6, $0x0;
	_ =	sdelay $0xe  }
0x3d: {  	s31 =	spop (v2sf)  }
0x3e: {  	p0 =	slt.s32 s31, $0x1  }
.Ltmp5:
0x3f: {  	_ = 	snop;
	(pc) =	sbr.rel @p0 .LBB2_8-.Ltmp5, $2  }
0x40: {  	_ =	sdelay $0x2  }
0x41: {  	s15 =	simm.s32 $0x10  }
0x42: {  	_ =	sdelay $0x3  }
0x43: {  	v7 =	vld.idx.msk [tilespmem:v3+s12+$0x0], $0xffff  }
0x44: {  	v6 =	vld.idx.msk [tilespmem:v3+s11+$0x0], $0xffff;
	s15 =	sadd.s32 $0xFFFFFFFF, s15  }
.LBB2_6:
0x45: {  	p0 =	sne.s32 s15, $0x1;
	_ =	sdelay $0x3  }
0x46: {  	vm1 =	vgt.s32 v5, v7;
	vm0 =	veq.f32 v4, v6  }
0x47: {  	vm2 =	vgt.f32 v4, v6;
	vm0 =	vmand vm0, vm1  }
0x48: {  	vm0 =	vmor vm2, vm0;
	_ =	sdelay $0x5  }
.Ltmp6:
0x49: {  	[tilespmem:v3+s11+$0x0] =	vst.idx.msk vm0, v4;
	(pc) =	sbr.rel @p0 .LBB2_6-.Ltmp6, $4  }
0x4a: {  	[tilespmem:v3+s12+$0x0] =	vst.idx.msk vm0, v5  }
0x4b: {  	v7 =	vld.idx.msk [tilespmem:v3+s12+$0x0], $0xffff  }
0x4c: {  	v6 =	vld.idx.msk [tilespmem:v3+s11+$0x0], $0xffff  }
0x4d: {  	s15 =	sadd.s32 $0xFFFFFFFF, s15  }
0x4e: {  	_ =	sdelay $0x2  }
0x4f: {  	vm1 =	vgt.s32 v5, v7;
	vm0 =	veq.f32 v4, v6  }
0x50: {  	vm2 =	vgt.f32 v4, v6;
	vm0 =	vmand vm0, vm1  }
0x51: {  	vm0 =	vmor vm2, vm0;
	_ =	sdelay $0x2  }
.Ltmp7:
0x52: {  	_ = 	snop;
	(pc) =	sbr.rel .LBB2_8-.Ltmp7, $3  }
0x53: {  	_ =	sdelay $0x1  }
0x54: {  	[tilespmem:v3+s11+$0x0] =	vst.idx.msk vm0, v4  }
0x55: {  	[tilespmem:v3+s12+$0x0] =	vst.idx.msk vm0, v5  }
.LBB2_10:
0x56: {  	_ =	sfence.sel $0x180000  }
0x57: {  	[bflag:$0x0] =	sbarrier.arrive $0xFFFF  }
0x58: {  	p0 =	sne.s32 s0, $0x0;
	_ =	strace $0x90000047  }
0x59: {  	s0 =	sadd.s32 @!p0 $0x100000, s1;
	[bflag:$0x2] =	sbarrier.arrive $0xFFFF  }
0x5a: {  	[sflag:s0] =	ssyncadd.tile.s32 @!p0 $0x1;
	_ =	shalt  }
.Lfunc_end2:
_tile_overlayer_lowered:
.L_overlay_start_2:
0x5b: {  	(tag) =	ssettag $0x2  }
0x5c: {  	s0 =	rddreg [dreg:$0x0];
	s2 =	stileid.u32  }
0x5d: {  	s1 =	rddreg [dreg:$0x1];
	p0 =	sne.s32 s2, $0x0  }
0x5e: {  	s3 =	rddreg [dreg:$0x2];
	[bflag:$0x3] =	sbarrier.arrive $0xFFFF;
	s2 =	simm.s32 @!p0 $0x1C01  }
0x5f: {  	[timem:s3], [sflag:s2] =	dma.local @!p0 [hbm:s0], s1  }
0x60: {  	s0 =	simm.s32 @!p0 $0x1  }
0x61: {  	_ =	swait.ge @!p0 [sflag:s0], s1  }
0x62: {  	s1 =	ssub.s32 @!p0 $0x0, s1;
	[sflag:s0] =	ssyncset.done @!p0 $0x0  }
0x63: {  	[sflag:s0] =	ssyncadd.s32 @!p0 s1  }
0x64: {  	[bflag:$0x3] =	sbarrier.arrive $0xFFFF  }
0x65: {  	_ =	shalt  }

// kernel: kernel.8.cloned.1.call-start
scs
__scs_entry_jumppad:
0x0: {  	(pc) =	sbr.rel $0x88, $3  }
0x1: {  	(tag) =	ssettag $0x0;
	lr =	simm.s32 $0x1  }
0x2: {  	[smem:$0x3F94] =	sst lr;
	_ =	strace $0xD0000000  }
0x3: {  	_ = 	snop  }
0x4: {  	_ = 	snop  }
0x5: {  	_ = 	snop  }
0x6: {  	_ = 	snop  }
0x7: {  	_ = 	snop  }
__scs_overlays_trampoline_lowered:
0x8: {  	[smem:$0x3FA3] =	sst s0  }
0x9: {  	[smem:$0x3FA4] =	sst s1  }
0xa: {  	[smem:$0x3FA5] =	sst s2  }
0xb: {  	[smem:$0x3FA6] =	sst s3  }
0xc: {  	[smem:$0x3FA7] =	sst s4  }
0xd: {  	[smem:$0x3FA8] =	sst s5  }
0xe: {  	[smem:$0x3FA9] =	sst s6  }
0xf: {  	[smem:$0x3FAA] =	sst s7  }
0x10: {  	[smem:$0x3FAB] =	sst s8  }
0x11: {  	[smem:$0x3FAC] =	sst s9;
	s0 =	simm.s32 @!p0 $0x0  }
0x12: {  	s1 =	sld [smem:$0x3F92];
	s0 =	simm.s32 @p0 $0x1  }
0x13: {  	[smem:$0x3FAD] =	sst s0;
	s0 =	simm.s32 @!p1 $0x0  }
0x14: {  	s2 =	sld [smem:$0x3F91];
	s0 =	simm.s32 @p1 $0x1  }
0x15: {  	[smem:$0x3FAE] =	sst s0;
	s0 =	simm.s32 @!p2 $0x0  }
0x16: {  	s3 =	sld [smem:$0x3FDB];
	s0 =	simm.s32 @p2 $0x1  }
0x17: {  	s4 =	simm.s32 $0x1BF5;
	[smem:$0x3FB0] =	sst s0  }
0x18: {  	s0 =	sld [smem:$0x3F93];
	_ =	swait.ge [sflag:s4], $0x0  }
0x19: {  	s7 =	sld [smem:$0x3F94]  }
0x1a: {  	s8 =	sadd.s32 $0xFFFFE003, lr  }
0x1b: {  	s9 =	sadd.s32 $0xFFFFFEF7, lr;
	s5 =	simm.s32 $0xFFFFFFFF;
	p2 =	slt.u32 s8, $0xFFFFF086  }
0x1c: {  	p1 =	slt.u32 s9, $0xF7A;
	s5 =	simm.s32 @!p2 $0x0  }
0x1d: {  	s5 =	simm.s32 @p1 $0x1;
	p0 =	seq.s32 s7, s2  }
0x1e: {  	s7 =	smul.u32 @!p0 $0xF7A, s2;
	p2 =	seq.s32 @!p0 s5, $0x0  }
0x1f: {  	s9 =	smul.u32 $0xF7A, s1;
	s8 =	simm.s32 @!p0 $0x1BF5;
	p2 =	por !p2, p0  }
0x20: {  	[sflag:s8] =	ssyncset.s32 @!p0 $0xFFFFF086;
	s6 =	sadd.s32 @!p0 s3, s7;
	s7 =	simm.s32 @!p0 $0x108  }
0x21: {  	s3 =	sadd.s32 s3, s9;
	s6 =	sadd.s32 @!p0 $0x88, s6;
	s7 =	simm.s32 @p2 $0x1082  }
0x22: {  	[simem:s7], [sflag:s8] =	dma.local @!p0 [hbm:s6], $0xF7A  }
0x23: {  	s9 =	sor.u32 $0xD0000000, s2;
	s6 =	simm.s32 $0x108;
	_ =	swait.ge @!p0 [sflag:s8], $0x0  }
0x24: {  	s3 =	sadd.s32 $0x88, s3;
	s6 =	simm.s32 @!p1 $0x1082;
	[sflag:s4] =	ssyncset.s32 $0xFFFFF086  }
0x25: {  	[simem:s6], [sflag:s4] =	dma.local [hbm:s3], $0xF7A  }
0x26: {  	[smem:$0x3F94] =	sst s1;
	(tag) =	ssettag s2;
	_ =	strace s9  }
0x27: {  	s1 =	sld [smem:$0x3FA4]  }
0x28: {  	s2 =	sld [smem:$0x3FA5]  }
0x29: {  	s4 =	sld [smem:$0x3FA7]  }
0x2a: {  	p0 =	seq.s32 s5, $0x0;
	s5 =	sld [smem:$0x3FA8]  }
0x2b: {  	s6 =	sld [smem:$0x3FA9]  }
0x2c: {  	s7 =	sld [smem:$0x3FAA]  }
0x2d: {  	s3 =	simm.s32 $0x108;
	s8 =	sld [smem:$0x3FAB]  }
0x2e: {  	s3 =	simm.s32 @!p0 $0x1082;
	s9 =	sld [smem:$0x3FAC]  }
0x2f: {  	lr =	sadd.s32 s0, s3;
	s0 =	sld [smem:$0x3FA3]  }
0x30: {  	s3 =	sld [smem:$0x3FA6]  }
0x31: {  	[smem:$0x3FAF] =	sst s10  }
0x32: {  	s10 =	sld [smem:$0x3FAD];
	_ =	sdelay $0x3  }
0x33: {  	p0 =	seq.s32 s10, $0x1;
	s10 =	sld [smem:$0x3FAF];
	_ =	sdelay $0x3  }
0x34: {  	[smem:$0x3FAF] =	sst s10  }
0x35: {  	s10 =	sld [smem:$0x3FAE];
	_ =	sdelay $0x3  }
0x36: {  	p1 =	seq.s32 s10, $0x1;
	s10 =	sld [smem:$0x3FAF];
	_ =	sdelay $0x3  }
0x37: {  	[smem:$0x3FAF] =	sst s10  }
0x38: {  	s10 =	sld [smem:$0x3FB0]  }
0x39: {  	_ = 	snop;
	(pc) =	sbr.ind lr, $3  }
0x3a: {  	_ = 	snop  }
0x3b: {  	_ = 	snop  }
0x3c: {  	p2 =	seq.s32 s10, $0x1;
	s10 =	sld [smem:$0x3FAF]  }
0x3d: {  	_ =	shalt  }
0x3e: {  	_ =	shalt  }
0x3f: {  	_ =	shalt  }
0x40: {  	_ =	shalt  }
0x41: {  	_ =	shalt  }
0x42: {  	_ =	shalt  }
0x43: {  	_ =	shalt  }
0x44: {  	_ =	shalt  }
0x45: {  	_ =	shalt  }
0x46: {  	_ =	shalt  }
0x47: {  	_ =	shalt  }
0x48: {  	_ =	shalt  }
0x49: {  	_ =	shalt  }
0x4a: {  	_ =	shalt  }
0x4b: {  	_ =	shalt  }
0x4c: {  	_ =	shalt  }
0x4d: {  	_ =	shalt  }
0x4e: {  	_ =	shalt  }
0x4f: {  	_ =	shalt  }
0x50: {  	_ =	shalt  }
0x51: {  	_ =	shalt  }
0x52: {  	_ =	shalt  }
0x53: {  	_ =	shalt  }
0x54: {  	_ =	shalt  }
0x55: {  	_ =	shalt  }
0x56: {  	_ =	shalt  }
0x57: {  	_ =	shalt  }
0x58: {  	_ =	shalt  }
0x59: {  	_ =	shalt  }
0x5a: {  	_ =	shalt  }
0x5b: {  	_ =	shalt  }
0x5c: {  	_ =	shalt  }
0x5d: {  	_ =	shalt  }
0x5e: {  	_ =	shalt  }
0x5f: {  	_ =	shalt  }
0x60: {  	_ =	shalt  }
0x61: {  	_ =	shalt  }
0x62: {  	_ =	shalt  }
0x63: {  	_ =	shalt  }
0x64: {  	_ =	shalt  }
0x65: {  	_ =	shalt  }
0x66: {  	_ =	shalt  }
0x67: {  	_ =	shalt  }
0x68: {  	_ =	shalt  }
0x69: {  	_ =	shalt  }
0x6a: {  	_ =	shalt  }
0x6b: {  	_ =	shalt  }
0x6c: {  	_ =	shalt  }
0x6d: {  	_ =	shalt  }
0x6e: {  	_ =	shalt  }
0x6f: {  	_ =	shalt  }
0x70: {  	_ =	shalt  }
0x71: {  	_ =	shalt  }
0x72: {  	_ =	shalt  }
0x73: {  	_ =	shalt  }
0x74: {  	_ =	shalt  }
0x75: {  	_ =	shalt  }
0x76: {  	_ =	shalt  }
0x77: {  	_ =	shalt  }
0x78: {  	_ =	shalt  }
0x79: {  	_ =	shalt  }
0x7a: {  	_ =	shalt  }
0x7b: {  	_ =	shalt  }
0x7c: {  	_ =	shalt  }
0x7d: {  	_ =	shalt  }
0x7e: {  	_ =	shalt  }
0x7f: {  	_ =	shalt  }
0x80: {  	_ =	shalt  }
0x81: {  	_ =	shalt  }
0x82: {  	_ =	shalt  }
0x83: {  	_ =	shalt  }
0x84: {  	_ =	shalt  }
0x85: {  	_ =	shalt  }
0x86: {  	_ =	shalt  }
0x87: {  	_ =	shalt  }
.Lfunc_end0:
.L_simem_size_0:
called_computation.1_lowered:
.L_overlay_start_0:
0x88: {  	s2 =	sld [smem:$0x3FD9]  }
0x89: {  	s3 =	sld [smem:$0x3FFE];
	_ =	sdelay $0x1  }
0x8a: {  	s1 =	srdreg.scid  }
0x8b: {  	s0 =	sand.u32 $0x1, s1  }
0x8c: {  	s14 =	sshll.u32 s0, $0xA;
	s2 =	sadd.s32 s3, s2  }
0x8d: {  	s2 =	sadd.s32 s2, s14  }
0x8e: {  	[smem:$0x3FBB] =	sst s2  }
0x8f: {  	_ = 	snop  }
0x90: {  	s2 =	sld [smem:$0x3FD0]  }
0x91: {  	s15 =	sld [smem:$0x3FC9]  }
0x92: {  	s4 =	sld [smem:$0x3FC8]  }
0x93: {  	s6 =	simm.s32 $0xA;
	s7 =	simm.s32 $0x10;
	s5 =	sld [smem:$0x3FBE]  }
0x94: {  	[smem:s7], [sflag:s6] =	dma.local [hbm:s2], $0x1  }
0x95: {  	_ =	swait.eq [sflag:s6], $0x1  }
0x96: {  	[sflag:s6] =	ssyncset.done $0x0  }
0x97: {  	s16 =	sld [smem:$0x10];
	[sflag:s6] =	ssyncadd.s32 $0xFFFFFFFF  }
0x98: {  	s17 =	sld [smem:$0x11];
	(tm) =	ssettm $0x1  }
0x99: {  	s18 =	sld [smem:$0x3FFB];
	_ =	sdelay $0x3  }
0x9a: {  	_ =	strace s18  }
0x9b: {  	s7 =	sld [smem:$0x3FFC];
	_ =	sdelay $0x3  }
0x9c: {  	_ =	strace s7  }
0x9d: {  	s7 =	sld [smem:$0x3FFD];
	_ =	sdelay $0x3  }
0x9e: {  	_ =	strace s7  }
0x9f: {  	_ =	strace $0x8FFFFFFF  }
0xa0: {  	s19 =	sld [smem:$0x3FDB];
	_ =	sdelay $0x1  }
0xa1: {  	s8 =	simm.s32 $_scs_section_size  }
0xa2: {  	s9 =	simm.s32 $_size__tile_overlayer_lowered;
	s10 =	simm.s32 $_tile_overlayer_lowered  }
0xa3: {  	s22 =	simm.s32 $0x1BFF;
	s21 =	sshll.u32 s10, $0x1;
	s7 =	sadd.s32 s8, s19  }
0xa4: {  	s11 =	simm.s32 $0x0;
	s20 =	sshll.u32 s9, $0x1;
	s9 =	sadd.s32 s21, s7  }
0xa5: {  	[timem:s11], [sflag:s22] =	dma.local [hbm:s9], s20  }
0xa6: {  	_ =	swait.ge [sflag:s22], s20  }
0xa7: {  	s8 =	ssub.s32 $0x0, s20;
	[sflag:s22] =	ssyncset.done $0x0  }
0xa8: {  	[sflag:s22] =	ssyncadd.s32 s8;
	_ =	sdelay $0x1  }
0xa9: {  	s23 =	simm.s32 $0x1B8B  }
0xaa: {  	_ =	swait.ge [sflag:s23], $0x1  }
0xab: {  	[sflag:s23] =	ssyncset.done $0x0  }
0xac: {  	s25 =	simm.s32 $0x1B8E;
	s24 =	sld [smem:$0x3FFE];
	[sflag:s23] =	ssyncadd.s32 $0xFFFFFFFF  }
0xad: {  	s26 =	simm.s32 $execute0_lowered;
	[smem:$0x3FD2] =	sst s25  }
0xae: {  	s9 =	sshll.u32 s26, $0x1;
	_ =	strace $0x80000049;
	[dreg:$0x1] =	wrdreg $0xFFFFFFFF  }
0xaf: {  	s28 =	simm.s32 $_size_execute0_lowered;
	s7 =	sadd.s32 s7, s9;
	[dreg:$0x0] =	wrdreg $0x0  }
0xb0: {  	s9 =	sshll.u32 s28, $0x1;
	[dreg:$0x2] =	wrdreg s7  }
0xb1: {  	[dreg:$0x3] =	wrdreg s9  }
0xb2: {  	[dreg:$0x4] =	wrdreg $0xC0  }
0xb3: {  	_ =	task [dreg:s11], $0x5FFFF  }
0xb4: {  	[dreg:$0x1] =	wrdreg $0xFFFFFFFF  }
0xb5: {  	[dreg:$0x0] =	wrdreg $0x60  }
0xb6: {  	[dreg:$0x2] =	wrdreg s16  }
0xb7: {  	[dreg:$0x3] =	wrdreg s24  }
0xb8: {  	[dreg:$0x4] =	wrdreg s5  }
0xb9: {  	[dreg:$0x5] =	wrdreg s4  }
0xba: {  	[dreg:$0x6] =	wrdreg s15  }
0xbb: {  	[dreg:$0x7] =	wrdreg s17  }
0xbc: {  	[dreg:$0x8] =	wrdreg $0x9  }
0xbd: {  	_ =	task.clear_ibuf [dreg:s11], $0x9FFFF;
	_ =	strace $0x90000049  }
0xbe: {  	s29 =	simm.s32 $0x9;
	_ =	strace $0x8000004B  }
0xbf: {  	_ =	swait.ge [sflag:s29], $0x1  }
0xc0: {  	[sflag:s29] =	ssyncadd.s32 $0xFFFFFFFF  }
0xc1: {  	_ =	strace $0x9000004B  }
0xc2: {  	_ =	sfence  }
0xc3: {  	s30 =	sld [smem:$0x0];
	_ =	sdelay $0x2  }
0xc4: {  	s31 =	sshll.u32 s1, $0xD;
	s1 =	sshrl.u32 s1, $0x2  }
0xc5: {  	s3 =	sand.u32 $0x4000, s31;
	s1 =	sadd.s32 s1, s30  }
0xc6: {  	s0 =	sor.u32 s3, s0;
	s1 =	sshll.u32 s1, $0x11  }
0xc7: {  	s0 =	sor.u32 s1, s0  }
0xc8: {  	s0 =	sadd.s32 $0x8F2B, s0  }
0xc9: {  	[sflag:s0] =	ssyncadd.remote.s32 $0x1  }
0xca: {  	_ =	sfence.sel $0xFFFF  }
0xcb: {  	[dreg:$0x0] =	wrdreg $0xFFFFFFFF;
	(pc) =	sbr.abs _section_cstart, $3  }
0xcc: {  	[dreg:$0x1] =	wrdreg $0xFFFFFFFF  }
0xcd: {  	_ =	task.clear_ibuf [dreg:s11], $0x2FFFF;
	_ =	strace $0x9FFFFFFF  }
0xce: {  	(tm) =	ssettm $0x7FFFFFFF  }
0xcf: {  	_ =	shalt  }
tec
execute0_lowered:
.L_overlay_start_1:
0x0: {  	(tag) =	ssettag $0x1  }
0x1: {  	s0 =	rddreg [dreg:$0x0]  }
0x2: {  	s1 =	rddreg [dreg:$0x1]  }
0x3: {  	s17 =	rddreg [dreg:$0x3]  }
0x4: {  	s2 =	srdreg.scid;
	s18 =	rddreg [dreg:$0x4]  }
0x5: {  	s6 =	stileid.u32;
	s7 =	rddreg [dreg:$0x5]  }
0x6: {  	s5 =	simm.s32 $0x0;
	s2 =	sand.u32 $0x1, s2;
	s3 =	smul.u32 $0x280, s6  }
0x7: {  	[smem:$0x7FF] =	sst s5;
	s16 =	sshll.u32 s6, $0x1;
	s4 =	smul.u32 $0x140, s2  }
0x8: {  	s6 =	sadd.s32 $0xC400, s1;
	s13 =	sadd.s32 $0xA8800, s1;
	s10 =	sadd.s32 $0xADE00, s1  }
0x9: {  	s3 =	sadd.s32 s4, s3;
	s4 =	sor.u32 s2, s16;
	s2 =	ssub.s32 $0x2, s2  }
0xa: {  	s11 =	sadd.s32 $0xA8E00, s1;
	s9 =	smul.u32 $0x140, s4;
	s12 =	sshrl.u32 s2, $0x1  }
0xb: {  	_ =	strace $0x8000004A;
	[dreg:$0x7] =	wrdreg s13;
	s2 =	ssub.s32 s2, s12  }
0xc: {  	s3 =	sshrl.u32 s3, $0x3;
	s9 =	sshrl.u32 s9, $0x3;
	s15 =	smax.u32 s2, $0x1  }
0xd: {  	s4 =	smul.u32 $0x1400, s4;
	s19 =	sadd.s32 s13, s9;
	[dreg:$0x16] =	wrdreg s15  }
0xe: {  	s8 =	sadd.s32 s3, s1;
	s20 =	sadd.s32 s7, s9;
	[dreg:$0x8] =	wrdreg s19  }
0xf: {  	s1 =	sadd.s32 s4, s1;
	s21 =	sadd.s32 s10, s9;
	[dreg:$0x9] =	wrdreg s20  }
0x10: {  	s13 =	sadd.s32 $0xAE800, s1;
	[dreg:$0xa] =	wrdreg s21  }
0x11: {  	s22 =	sadd.s32 $0x500, s9;
	s14 =	sadd.s32 $0xD6800, s1;
	[dreg:$0x14] =	wrdreg s13  }
0x12: {  	s23 =	sadd.s32 s10, s22;
	[dreg:$0x15] =	wrdreg s14  }
0x13: {  	s12 =	sadd.s32 s11, s9;
	s4 =	sadd.s32 s11, s22;
	[dreg:$0xb] =	wrdreg s23  }
0x14: {  	s24 =	sadd.s32 $0xA00, s12;
	[dreg:$0xc] =	wrdreg s4  }
0x15: {  	s28 =	simm.s32 $0x8480;
	s25 =	sadd.s32 $0xF00, s12;
	[dreg:$0xd] =	wrdreg s24  }
0x16: {  	s29 =	simm.s32 $0x53C0;
	s26 =	sadd.s32 $0x1400, s12;
	[dreg:$0xe] =	wrdreg s25  }
0x17: {  	s30 =	simm.s32 $0x5500;
	s7 =	sadd.s32 $0x1900, s12;
	[dreg:$0xf] =	wrdreg s26  }
0x18: {  	s31 =	simm.s32 $0x85C0;
	s9 =	sadd.s32 $0x1E00, s12;
	[dreg:$0x10] =	wrdreg s7  }
0x19: {  	s2 =	simm.s32 $0x5;
	s10 =	sadd.s32 $0x2300, s12;
	[dreg:$0x11] =	wrdreg s9  }
0x1a: {  	s1 =	simm.s32 $0x5780;
	s11 =	sadd.s32 $0x2800, s12;
	[dreg:$0x12] =	wrdreg s10  }
0x1b: {  	s15 =	simm.s32 $0x125C0;
	s16 =	sadd.s32 $0x2D00, s12;
	[dreg:$0x13] =	wrdreg s11  }
0x1c: {  	s21 =	sadd.s32 s3, s0;
	s19 =	sadd.s32 $0x3200, s12;
	[dreg:$0x17] =	wrdreg s16  }
0x1d: {  	s20 =	sadd.s32 $0x3700, s12;
	s22 =	sadd.s32 $0x3C00, s12;
	[dreg:$0x18] =	wrdreg s19  }
0x1e: {  	s3 =	simm.s32 $0x8;
	s0 =	simm.s32 $0x2;
	[dreg:$0x19] =	wrdreg s20  }
0x1f: {  	s13 =	simm.s32 $0x7;
	s25 =	sadd.s32 $0x2400, s8;
	[dreg:$0x1a] =	wrdreg s22  }
0x20: {  	s23 =	sadd.s32 $0x4100, s12;
	s24 =	sadd.s32 $0x4600, s12;
	s26 =	sadd.s32 $0x4B00, s12  }
0x21: {  	s4 =	simm.s32 $0x140;
	s9 =	simm.s32 $0x1;
	[dreg:$0x1b] =	wrdreg s23  }
0x22: {  	s8 =	simm.s32 $0x4;
	s10 =	simm.s32 $0x6;
	[dreg:$0x1c] =	wrdreg s24  }
0x23: {  	s11 =	simm.s32 $0x3;
	s7 =	simm.s32 $0x0;
	[dreg:$0x1d] =	wrdreg s26  }
0x24: {  	v0 =	vimm.f32 $1.000000000e+00;
	s23 =	simm.s32 $0x80C0;
	s24 =	simm.s32 $0x8200;
	s26 =	simm.s32 $0x8340  }
.LBB2_1:
0x25: {  	s14 =	rddreg [dreg:$0x8]  }
0x26: {  	[tilespmem:s1], [sflag:$0x8] =	stream.linear.gather [hbm4b:s14+s5], $0x140, $0x38;
	[tilespmem:$0x1C5C0] =	vst v63  }
0x27: {  	_ =	swait.ge [sflag:s3], $0x140  }
0x28: {  	[sflag:s3] =	ssyncset.done $0x0  }
0x29: {  	s20 =	smov.u32 s17;
	s16 =	simm.s32 $0x58C0;
	[sflag:s3] =	ssyncadd.s32 $0xFFFFFEC0  }
0x2a: {  	[tilespmem:s16], [sflag:$0x2] =	stream.indirect.gather [hbm4b:s17+s4], $0x1, s1, s4, $0xb8;
	[tilespmem:$0x1C5C0] =	vst v63  }
0x2b: {  	s22 =	smov.u32 s18;
	s19 =	sadd.s32 $0x0, s21;
	s14 =	simm.s32 $0x500  }
0x2c: {  	[tilespmem:s15], [sflag:$0x3] =	stream.indirect.gather [hbm4b:s18+s4], $0x80, s1, s4, $0xb8;
	[tilespmem:$0x1C5C0] =	vst v63  }
0x2d: {  	s16 =	sadd.s32 $0x0, s25;
	s18 =	simm.s32 $0x280;
	s15 =	simm.s32 $0x2A80  }
0x2e: {  	[tilespmem:s18], [sflag:$0x1] =	stream.linear.gather [hbm4b:s19+s5], $0x140, $0x38;
	[tilespmem:$0x1C5C0] =	vst v63  }
.LBB2_2:
0x2f: {  	[tilespmem:s15], [sflag:$0x1] =	stream.linear.gather [hbm4b:s16+s5], $0x140, $0x38;
	[tilespmem:$0x1C5C0] =	vst v63  }
0x30: {  	s16 =	smov.u32 s14;
	p0 =	sne.s32 s14, $0x9B00  }
.Ltmp0:
0x31: {  	s14 =	sadd.s32 $0x500, s14;
	(pc) =	sbr.rel @p0 .LBB2_2-.Ltmp0, $4  }
0x32: {  	s15 =	sshra.s32 s16, $0x2  }
0x33: {  	s18 =	sadd.s32 s16, s21;
	s17 =	sadd.s32 $0x280, s15  }
0x34: {  	[tilespmem:s17], [sflag:$0x1] =	stream.linear.gather [hbm4b:s18+s5], $0x140, $0x38;
	[tilespmem:$0x1C5C0] =	vst v63  }
0x35: {  	s16 =	sadd.s32 s16, s25;
	s15 =	sadd.s32 $0x2A80, s15  }
0x36: {  	[tilespmem:s15], [sflag:$0x1] =	stream.linear.gather [hbm4b:s16+s5], $0x140, $0x38;
	[tilespmem:$0x1C5C0] =	vst v63  }
0x37: {  	_ =	swait.ge [sflag:s9], $0x140  }
0x38: {  	[sflag:s9] =	ssyncset.done $0x0  }
0x39: {  	[sflag:s9] =	ssyncadd.s32 $0xFFFFFEC0  }
0x3a: {  	_ =	swait.ge [sflag:s9], $0x140  }
0x3b: {  	s14 =	simm.s32 $0x1F;
	[sflag:s9] =	ssyncset.done $0x0  }
.LBB2_4:
0x3c: {  	p0 =	sne.s32 s14, $0x1;
	s14 =	sadd.s32 $0xFFFFFFFF, s14;
	[sflag:s9] =	ssyncadd.s32 $0xFFFFFEC0  }
.Ltmp1:
0x3d: {  	_ =	swait.ge [sflag:s9], $0x140;
	(pc) =	sbr.rel @p0 .LBB2_4-.Ltmp1, $4  }
0x3e: {  	[sflag:s9] =	ssyncset.done $0x0  }
0x3f: {  	[sflag:s9] =	ssyncadd.s32 $0xFFFFFEC0  }
0x40: {  	_ =	swait.ge [sflag:s9], $0x140  }
0x41: {  	[sflag:s9] =	ssyncset.done $0x0  }
0x42: {  	[sflag:s9] =	ssyncadd.s32 $0xFFFFFEC0;
	s14 =	simm.s32 $0x0  }
0x43: {  	v1 =	vld [tilespmem:s14+$0x2A80]  }
0x44: {  	s15 =	simm.s32 $0x40;
	v2 =	vld [tilespmem:s14+$0x280]  }
.LBB2_6:
0x45: {  	p0 =	sne.s32 s15, $0x4C0  }
.Ltmp2:
0x46: {  	_ = 	snop;
	(pc) =	sbr.rel @p0 .LBB2_6-.Ltmp2, $4  }
0x47: {  	_ = 	snop  }
0x48: {  	s16 =	sshra.s32 s15, $0x2;
	s15 =	sadd.s32 $0x40, s15;
	[tilespmem:s14+$0x140] =	vst v1  }
0x49: {  	v1 =	vld [tilespmem:s16+$0x2A80];
	[tilespmem:s14+$0x0] =	vst v2;
	s14 =	smov.u32 s16  }
0x4a: {  	v2 =	vld [tilespmem:s14+$0x280]  }
0x4b: {  	_ =	sdelay $0x2  }
0x4c: {  	[tilespmem:s14+$0x140] =	vst v1  }
0x4d: {  	s15 =	simm.s32 $0x3C0;
	s16 =	simm.s32 $0x2BC0;
	[tilespmem:s14+$0x0] =	vst v2;
	s14 =	simm.s32 $0x1  }
.LBB2_8:
0x4e: {  	v1 =	vmov s15  }
0x4f: {  	v2 =	vmov s16  }
0x50: {  	s17 =	simm.s32 $0x0  }
0x51: {  	v3 =	vld [tilespmem:s17+$0x0]  }
0x52: {  	v6 =	vld [tilespmem:s17+$0x140]  }
0x53: {  	v4 =	vld.idx.msk [tilespmem:v1+s17+$0x0 ss:$0x1], $0xffff  }
0x54: {  	v5 =	vld.idx.msk [tilespmem:v2+s17+$0x0 ss:$0x1], $0xffff;
	_ =	sdelay $0x4  }
0x55: {  	vm1 =	veq.f32 v4, v3;
	vm2 =	vgt.s32 v5, v6  }
0x56: {  	s18 =	simm.s32 $0x40;
	vm0 =	vgt.f32 v4, v3;
	vm1 =	vmand vm1, vm2  }
.LBB2_9:
0x57: {  	p0 =	sne.s32 s18, $0x4C0;
	vm0 =	vmor vm0, vm1;
	s19 =	smov.u32 s18;
	s18 =	sadd.s32 $0x40, s18  }
0x58: {  	v3 =	vsel vm0, v4, v3;
	v4 =	vsel vm0, v5, v6  }
0x59: {  	s19 =	sshra.s32 s19, $0x2;
	[tilespmem:s17+$0x0] =	vst v3  }
0x5a: {  	v3 =	vld [tilespmem:s19+$0x0];
	[tilespmem:s17+$0x140] =	vst v4;
	s17 =	smov.u32 s19  }
0x5b: {  	v4 =	vld.idx.msk [tilespmem:v1+s17+$0x0 ss:$0x1], $0xffff  }
0x5c: {  	v5 =	vld.idx.msk [tilespmem:v2+s17+$0x0 ss:$0x1], $0xffff  }
0x5d: {  	v6 =	vld [tilespmem:s17+$0x140];
	_ =	sdelay $0x1  }
.Ltmp3:
0x5e: {  	(pc) =	sbr.rel @p0 .LBB2_9-.Ltmp3, $4  }
0x5f: {  	_ = 	snop  }
0x60: {  	vm0 =	vgt.f32 v4, v3;
	vm1 =	veq.f32 v4, v3  }
0x61: {  	vm2 =	vgt.s32 v5, v6  }
0x62: {  	vm1 =	vmand vm1, vm2  }
0x63: {  	s14 =	sadd.s32 $0x1, s14  }
0x64: {  	p0 =	sne.s32 s14, $0x20  }
.Ltmp4:
0x65: {  	_ = 	snop;
	(pc) =	sbr.rel @p0 .LBB2_8-.Ltmp4, $4  }
0x66: {  	vm0 =	vmor vm0, vm1  }
0x67: {  	v1 =	vsel vm0, v4, v3  }
0x68: {  	v2 =	vsel vm0, v5, v6;
	[tilespmem:s17+$0x0] =	vst v1  }
0x69: {  	s15 =	sadd.s32 $0x140, s15;
	s16 =	sadd.s32 $0x140, s16;
	[tilespmem:s17+$0x140] =	vst v2  }
0x6a: {  	s14 =	simm.s32 $0x0  }
0x6b: {  	v1 =	vld [tilespmem:s14+$0x140];
	_ =	sdelay $0x4  }
0x6c: {  	vm0 =	vgt.s32 v1, $0x0  }
0x6d: {  	v9 =	vnsel vm0, $0x0, v1  }
0x6e: {  	[tilespmem:s14+$0x5280] =	vst v9  }
0x6f: {  	v1 =	vadd.s32 $0x493E00, v9;
	[tilespmem:s14+$0x5DC0] =	vst v9  }
0x70: {  	v2 =	vadd.s32 $0x445C00, v9;
	[tilespmem:s14+$0x7080] =	vst v1  }
0x71: {  	v3 =	vadd.s32 $0x30D400, v9;
	[tilespmem:s14+$0x6F40] =	vst v2  }
0x72: {  	v5 =	vadd.s32 $0x271000, v9;
	v4 =	vadd.s32 $0x186A00, v9;
	[tilespmem:s14+$0x6A40] =	vst v3  }
0x73: {  	v7 =	vadd.s32 $0x1D4C00, v9;
	v1 =	vadd.s32 $0x3F7A00, v9;
	[tilespmem:s14+$0x67C0] =	vst v5  }
0x74: {  	v8 =	vadd.s32 $0x222E00, v9;
	v2 =	vadd.s32 $0x3A9800, v9;
	[tilespmem:s14+$0x6E00] =	vst v1  }
0x75: {  	v6 =	vadd.s32 $0x138800, v9;
	v3 =	vadd.s32 $0x9C400, v9;
	v1 =	vadd.s32 $0x35B600, v9;
	[tilespmem:s14+$0x6CC0] =	vst v2  }
0x76: {  	s15 =	simm.s32 $0x40;
	v5 =	vadd.s32 $0xEA600, v9;
	v2 =	vadd.s32 $0x4E200, v9;
	[tilespmem:s14+$0x6B80] =	vst v1;
	v1 =	vadd.s32 $0x2BF200, v9  }
.LBB2_12:
0x77: {  	s16 =	sshra.s32 s15, $0x2;
	p0 =	sne.s32 s15, $0x4C0;
	s15 =	sadd.s32 $0x40, s15;
	[tilespmem:s14+$0x6680] =	vst v8  }
0x78: {  	v8 =	vld [tilespmem:s16+$0x140];
	[tilespmem:s14+$0x6540] =	vst v7  }
0x79: {  	[tilespmem:s14+$0x6400] =	vst v4  }
0x7a: {  	[tilespmem:s14+$0x5F00] =	vst v2  }
0x7b: {  	[tilespmem:s14+$0x6040] =	vst v3  }
0x7c: {  	[tilespmem:s14+$0x6180] =	vst v5  }
0x7d: {  	vm0 =	vgt.s32 v8, $0x0;
	[tilespmem:s14+$0x62C0] =	vst v6  }
0x7e: {  	v9 =	vnsel vm0, $0x0, v8;
	[tilespmem:s14+$0x6900] =	vst v1;
	s14 =	smov.u32 s16  }
0x7f: {  	[tilespmem:s14+$0x5280] =	vst v9;
	v10 =	vadd.s32 $0x271000, v9  }
0x80: {  	v1 =	vadd.s32 $0x2BF200, v9;
	v3 =	vadd.s32 $0x493E00, v9;
	v4 =	vadd.s32 $0x186A00, v9  }
0x81: {  	v2 =	vadd.s32 $0x4E200, v9;
	v5 =	vadd.s32 $0x445C00, v9;
	v7 =	vadd.s32 $0x1D4C00, v9;
	[tilespmem:s14+$0x7080] =	vst v3  }
0x82: {  	v6 =	vadd.s32 $0x3F7A00, v9;
	v8 =	vadd.s32 $0x222E00, v9;
	v3 =	vadd.s32 $0x9C400, v9;
	[tilespmem:s14+$0x6F40] =	vst v5  }
0x83: {  	v11 =	vadd.s32 $0x3A9800, v9;
	v12 =	vadd.s32 $0x35B600, v9;
	v5 =	vadd.s32 $0xEA600, v9;
	[tilespmem:s14+$0x6E00] =	vst v6  }
.Ltmp5:
0x84: {  	v6 =	vadd.s32 $0x138800, v9;
	[tilespmem:s14+$0x6CC0] =	vst v11;
	(pc) =	sbr.rel @p0 .LBB2_12-.Ltmp5, $4  }
0x85: {  	v11 =	vadd.s32 $0x30D400, v9;
	[tilespmem:s14+$0x6B80] =	vst v12  }
0x86: {  	[tilespmem:s14+$0x6A40] =	vst v11  }
0x87: {  	[tilespmem:s14+$0x67C0] =	vst v10  }
0x88: {  	[tilespmem:s14+$0x5DC0] =	vst v9  }
0x89: {  	[tilespmem:s14+$0x6680] =	vst v8  }
0x8a: {  	[tilespmem:s14+$0x6540] =	vst v7  }
0x8b: {  	[tilespmem:s14+$0x6400] =	vst v4  }
0x8c: {  	[tilespmem:s14+$0x5F00] =	vst v2  }
0x8d: {  	[tilespmem:s14+$0x6040] =	vst v3  }
0x8e: {  	[tilespmem:s14+$0x6180] =	vst v5  }
0x8f: {  	[tilespmem:s14+$0x62C0] =	vst v6  }
0x90: {  	[tilespmem:s14+$0x6900] =	vst v1;
	s17 =	simm.s32 $0x5DC0;
	s19 =	simm.s32 $0x71C0  }
0x91: {  	[tilespmem:s19], [sflag:$0x7] =	stream.indirect.gather [hbm4b:s6+s4], $0x1, s17, s4, $0xb8;
	[tilespmem:$0x1C5C0] =	vst v63  }
0x92: {  	s18 =	simm.s32 $0x5F00;
	s15 =	simm.s32 $0x7300  }
0x93: {  	[tilespmem:s15], [sflag:$0x7] =	stream.indirect.gather [hbm4b:s6+s4], $0x1, s18, s4, $0xb8;
	[tilespmem:$0x1C5C0] =	vst v63  }
0x94: {  	s16 =	simm.s32 $0x7440;
	s15 =	simm.s32 $0x6040  }
0x95: {  	[tilespmem:s16], [sflag:$0x7] =	stream.indirect.gather [hbm4b:s6+s4], $0x1, s15, s4, $0xb8;
	[tilespmem:$0x1C5C0] =	vst v63  }
0x96: {  	s17 =	simm.s32 $0x6180;
	s18 =	simm.s32 $0x7580  }
0x97: {  	[tilespmem:s18], [sflag:$0x7] =	stream.indirect.gather [hbm4b:s6+s4], $0x1, s17, s4, $0xb8;
	[tilespmem:$0x1C5C0] =	vst v63  }
0x98: {  	s15 =	simm.s32 $0x62C0;
	s16 =	simm.s32 $0x76C0  }
0x99: {  	[tilespmem:s16], [sflag:$0x7] =	stream.indirect.gather [hbm4b:s6+s4], $0x1, s15, s4, $0xb8;
	[tilespmem:$0x1C5C0] =	vst v63  }
0x9a: {  	s17 =	simm.s32 $0x6400;
	s18 =	simm.s32 $0x7800  }
0x9b: {  	[tilespmem:s18], [sflag:$0x7] =	stream.indirect.gather [hbm4b:s6+s4], $0x1, s17, s4, $0xb8;
	[tilespmem:$0x1C5C0] =	vst v63  }
0x9c: {  	s15 =	simm.s32 $0x6540;
	s16 =	simm.s32 $0x7940  }
0x9d: {  	[tilespmem:s16], [sflag:$0x7] =	stream.indirect.gather [hbm4b:s6+s4], $0x1, s15, s4, $0xb8;
	[tilespmem:$0x1C5C0] =	vst v63  }
0x9e: {  	s17 =	simm.s32 $0x6680;
	s18 =	simm.s32 $0x7A80  }
0x9f: {  	[tilespmem:s18], [sflag:$0x7] =	stream.indirect.gather [hbm4b:s6+s4], $0x1, s17, s4, $0xb8;
	[tilespmem:$0x1C5C0] =	vst v63  }
0xa0: {  	s15 =	simm.s32 $0x67C0;
	s16 =	simm.s32 $0x7BC0  }
0xa1: {  	[tilespmem:s16], [sflag:$0x7] =	stream.indirect.gather [hbm4b:s6+s4], $0x1, s15, s4, $0xb8;
	[tilespmem:$0x1C5C0] =	vst v63  }
0xa2: {  	s17 =	simm.s32 $0x6900;
	s18 =	simm.s32 $0x7D00  }
0xa3: {  	[tilespmem:s18], [sflag:$0x7] =	stream.indirect.gather [hbm4b:s6+s4], $0x1, s17, s4, $0xb8;
	[tilespmem:$0x1C5C0] =	vst v63  }
0xa4: {  	s15 =	simm.s32 $0x6A40;
	s16 =	simm.s32 $0x7E40  }
0xa5: {  	[tilespmem:s16], [sflag:$0x7] =	stream.indirect.gather [hbm4b:s6+s4], $0x1, s15, s4, $0xb8;
	[tilespmem:$0x1C5C0] =	vst v63  }
0xa6: {  	s17 =	simm.s32 $0x6B80;
	s18 =	simm.s32 $0x7F80  }
0xa7: {  	[tilespmem:s18], [sflag:$0x7] =	stream.indirect.gather [hbm4b:s6+s4], $0x1, s17, s4, $0xb8;
	[tilespmem:$0x1C5C0] =	vst v63  }
0xa8: {  	s15 =	simm.s32 $0x6CC0  }
0xa9: {  	[tilespmem:s23], [sflag:$0x7] =	stream.indirect.gather [hbm4b:s6+s4], $0x1, s15, s4, $0xb8;
	[tilespmem:$0x1C5C0] =	vst v63  }
0xaa: {  	s16 =	simm.s32 $0x6E00  }
0xab: {  	[tilespmem:s24], [sflag:$0x7] =	stream.indirect.gather [hbm4b:s6+s4], $0x1, s16, s4, $0xb8;
	[tilespmem:$0x1C5C0] =	vst v63  }
0xac: {  	s17 =	simm.s32 $0x6F40  }
0xad: {  	[tilespmem:s26], [sflag:$0x7] =	stream.indirect.gather [hbm4b:s6+s4], $0x1, s17, s4, $0xb8;
	[tilespmem:$0x1C5C0] =	vst v63  }
0xae: {  	s18 =	simm.s32 $0x7080  }
0xaf: {  	[tilespmem:s28], [sflag:$0x7] =	stream.indirect.gather [hbm4b:s6+s4], $0x1, s18, s4, $0xb8;
	[tilespmem:$0x1C5C0] =	vst v63  }
0xb0: {  	s15 =	rddreg [dreg:$0x2];
	s16 =	simm.s32 $0x5280  }
0xb1: {  	[tilespmem:s29], [sflag:$0x4] =	stream.indirect.gather [hbm4b:s15+s4], $0x1, s16, s4, $0xb8;
	[tilespmem:$0x1C5C0] =	vst v63  }
0xb2: {  	_ =	swait.ge [sflag:s8], $0x140  }
0xb3: {  	[sflag:s8] =	ssyncset.done $0x0  }
0xb4: {  	s17 =	rddreg [dreg:$0x7];
	[sflag:s8] =	ssyncadd.s32 $0xFFFFFEC0  }
0xb5: {  	[tilespmem:s30], [sflag:$0x4] =	stream.indirect.gather [hbm4b:s17+s4], $0x1, s29, s4, $0xb8;
	[tilespmem:$0x1C5C0] =	vst v63  }
0xb6: {  	_ =	swait.ge [sflag:s8], $0x140  }
0xb7: {  	[sflag:s8] =	ssyncset.done $0x0  }
0xb8: {  	s18 =	simm.s32 $0x5640;
	[sflag:s8] =	ssyncadd.s32 $0xFFFFFEC0  }
0xb9: {  	[tilespmem:s18], [sflag:$0x5] =	stream.indirect.gather [hbm4b:s20+s4], $0x1, s30, s4, $0xb8;
	[tilespmem:$0x1C5C0] =	vst v63  }
0xba: {  	_ = 	snop  }
0xbb: {  	[tilespmem:s31], [sflag:$0x6] =	stream.indirect.gather [hbm4b:s22+s4], $0x80, s30, s4, $0xb8;
	[tilespmem:$0x1C5C0] =	vst v63  }
0xbc: {  	_ =	swait.ge [sflag:s2], $0x140  }
0xbd: {  	[sflag:s2] =	ssyncset.done $0x0  }
0xbe: {  	[sflag:s2] =	ssyncadd.s32 $0xFFFFFEC0  }
0xbf: {  	_ =	swait.ge [sflag:s0], $0x140  }
0xc0: {  	[sflag:s0] =	ssyncset.done $0x0  }
0xc1: {  	s14 =	simm.s32 $0x0;
	[sflag:s0] =	ssyncadd.s32 $0xFFFFFEC0  }
0xc2: {  	v1 =	vld [tilespmem:s14+$0x0]  }
0xc3: {  	v2 =	vld [tilespmem:s14+$0x58C0]  }
0xc4: {  	v3 =	vld [tilespmem:s14+$0x5640]  }
0xc5: {  	s15 =	simm.s32 $0x40;
	s17 =	smov.u32 s20;
	s18 =	smov.u32 s22  }
.LBB2_14:
0xc6: {  	p0 =	sne.s32 s15, $0x4C0  }
.Ltmp6:
0xc7: {  	s16 =	sshra.s32 s15, $0x2;
	s15 =	sadd.s32 $0x40, s15;
	vm0 =	veq.f32 v1, $-Inf;
	v4 =	vmov v1;
	(pc) =	sbr.rel @p0 .LBB2_14-.Ltmp6, $4  }
0xc8: {  	v1 =	vld [tilespmem:s16+$0x0];
	v5 =	vsel vm0, $0x0, v0;
	v6 =	vsel vm0, v2, v4  }
0xc9: {  	v2 =	vld [tilespmem:s16+$0x58C0];
	v4 =	vsub.f32 v4, v3;
	[tilespmem:s14+$0x5A00] =	vst v6  }
0xca: {  	v3 =	vld [tilespmem:s16+$0x5640];
	[tilespmem:s14+$0x5C80] =	vst v5  }
0xcb: {  	[tilespmem:s14+$0x5B40] =	vst v4;
	s14 =	smov.u32 s16  }
0xcc: {  	_ = 	snop  }
0xcd: {  	vm0 =	veq.f32 v1, $-Inf  }
0xce: {  	v2 =	vsel vm0, v2, v1  }
0xcf: {  	v4 =	vsel vm0, $0x0, v0;
	v1 =	vsub.f32 v1, v3;
	[tilespmem:s14+$0x5A00] =	vst v2  }
0xd0: {  	[tilespmem:s14+$0x5C80] =	vst v4  }
0xd1: {  	[tilespmem:s14+$0x5B40] =	vst v1  }
0xd2: {  	_ =	swait.ge [sflag:s10], $0xA000  }
0xd3: {  	[sflag:s10] =	ssyncset.done $0x0  }
0xd4: {  	[sflag:s10] =	ssyncadd.s32 $0xFFFF6000  }
0xd5: {  	_ =	swait.ge [sflag:s11], $0xA000  }
0xd6: {  	[sflag:s11] =	ssyncset.done $0x0  }
0xd7: {  	[sflag:s11] =	ssyncadd.s32 $0xFFFF6000  }
0xd8: {  	_ =	swait.ge [sflag:s13], $0x140  }
0xd9: {  	[sflag:s13] =	ssyncset.done $0x0  }
0xda: {  	[sflag:s13] =	ssyncadd.s32 $0xFFFFFEC0  }
0xdb: {  	_ =	swait.ge [sflag:s13], $0x140  }
0xdc: {  	[sflag:s13] =	ssyncset.done $0x0  }
0xdd: {  	[sflag:s13] =	ssyncadd.s32 $0xFFFFFEC0  }
0xde: {  	_ =	swait.ge [sflag:s13], $0x140  }
0xdf: {  	[sflag:s13] =	ssyncset.done $0x0  }
0xe0: {  	[sflag:s13] =	ssyncadd.s32 $0xFFFFFEC0  }
0xe1: {  	_ =	swait.ge [sflag:s13], $0x140  }
0xe2: {  	[sflag:s13] =	ssyncset.done $0x0  }
0xe3: {  	[sflag:s13] =	ssyncadd.s32 $0xFFFFFEC0  }
0xe4: {  	_ =	swait.ge [sflag:s13], $0x140  }
0xe5: {  	[sflag:s13] =	ssyncset.done $0x0  }
0xe6: {  	[sflag:s13] =	ssyncadd.s32 $0xFFFFFEC0  }
0xe7: {  	_ =	swait.ge [sflag:s13], $0x140  }
0xe8: {  	[sflag:s13] =	ssyncset.done $0x0  }
0xe9: {  	[sflag:s13] =	ssyncadd.s32 $0xFFFFFEC0  }
0xea: {  	_ =	swait.ge [sflag:s13], $0x140  }
0xeb: {  	[sflag:s13] =	ssyncset.done $0x0  }
0xec: {  	[sflag:s13] =	ssyncadd.s32 $0xFFFFFEC0  }
0xed: {  	_ =	swait.ge [sflag:s13], $0x140  }
0xee: {  	[sflag:s13] =	ssyncset.done $0x0  }
0xef: {  	[sflag:s13] =	ssyncadd.s32 $0xFFFFFEC0  }
0xf0: {  	_ =	swait.ge [sflag:s13], $0x140  }
0xf1: {  	[sflag:s13] =	ssyncset.done $0x0  }
0xf2: {  	[sflag:s13] =	ssyncadd.s32 $0xFFFFFEC0  }
0xf3: {  	_ =	swait.ge [sflag:s13], $0x140  }
0xf4: {  	[sflag:s13] =	ssyncset.done $0x0  }
0xf5: {  	[sflag:s13] =	ssyncadd.s32 $0xFFFFFEC0  }
0xf6: {  	_ =	swait.ge [sflag:s13], $0x140  }
0xf7: {  	[sflag:s13] =	ssyncset.done $0x0  }
0xf8: {  	[sflag:s13] =	ssyncadd.s32 $0xFFFFFEC0  }
0xf9: {  	_ =	swait.ge [sflag:s13], $0x140  }
0xfa: {  	[sflag:s13] =	ssyncset.done $0x0  }
0xfb: {  	[sflag:s13] =	ssyncadd.s32 $0xFFFFFEC0  }
0xfc: {  	_ =	swait.ge [sflag:s13], $0x140  }
0xfd: {  	[sflag:s13] =	ssyncset.done $0x0  }
0xfe: {  	[sflag:s13] =	ssyncadd.s32 $0xFFFFFEC0  }
0xff: {  	_ =	swait.ge [sflag:s13], $0x140  }
0x100: {  	[sflag:s13] =	ssyncset.done $0x0  }
0x101: {  	[sflag:s13] =	ssyncadd.s32 $0xFFFFFEC0  }
0x102: {  	_ =	swait.ge [sflag:s13], $0x140  }
0x103: {  	[sflag:s13] =	ssyncset.done $0x0  }
0x104: {  	[sflag:s13] =	ssyncadd.s32 $0xFFFFFEC0  }
0x105: {  	_ =	swait.ge [sflag:s13], $0x140  }
0x106: {  	[sflag:s13] =	ssyncset.done $0x0  }
0x107: {  	s15 =	simm.s32 $0x5A00;
	s22 =	rddreg [dreg:$0x9];
	[sflag:s13] =	ssyncadd.s32 $0xFFFFFEC0  }
0x108: {  	[hbm4b:s22+s5] =	stream.linear.scatter [tilespmem:s15], [sflag:$0x8], $0x140, $0x38;
	[tilespmem:$0x1C5C0] =	vst v63  }
0x109: {  	_ =	swait.ge [sflag:s3], $0x140  }
0x10a: {  	[sflag:s3] =	ssyncset.done $0x0  }
0x10b: {  	s16 =	simm.s32 $0x5B40;
	s15 =	rddreg [dreg:$0xa];
	[sflag:s3] =	ssyncadd.s32 $0xFFFFFEC0  }
0x10c: {  	[hbm4b:s15+s5] =	stream.linear.scatter [tilespmem:s16], [sflag:$0x8], $0x140, $0x38;
	[tilespmem:$0x1C5C0] =	vst v63  }
0x10d: {  	_ =	swait.ge [sflag:s3], $0x140  }
0x10e: {  	[sflag:s3] =	ssyncset.done $0x0  }
0x10f: {  	s22 =	simm.s32 $0x5C80;
	s20 =	rddreg [dreg:$0xb];
	[sflag:s3] =	ssyncadd.s32 $0xFFFFFEC0  }
0x110: {  	[hbm4b:s20+s5] =	stream.linear.scatter [tilespmem:s22], [sflag:$0x8], $0x140, $0x38;
	[tilespmem:$0x1C5C0] =	vst v63  }
0x111: {  	_ =	swait.ge [sflag:s3], $0x140  }
0x112: {  	[sflag:s3] =	ssyncset.done $0x0  }
0x113: {  	[sflag:s3] =	ssyncadd.s32 $0xFFFFFEC0  }
0x114: {  	[hbm4b:s12+s5] =	stream.linear.scatter [tilespmem:s19], [sflag:$0x8], $0x140, $0x38;
	[tilespmem:$0x1C5C0] =	vst v63  }
0x115: {  	_ =	swait.ge [sflag:s3], $0x140  }
0x116: {  	[sflag:s3] =	ssyncset.done $0x0  }
0x117: {  	s19 =	simm.s32 $0x7300;
	s16 =	rddreg [dreg:$0xc];
	[sflag:s3] =	ssyncadd.s32 $0xFFFFFEC0  }
0x118: {  	[hbm4b:s16+s5] =	stream.linear.scatter [tilespmem:s19], [sflag:$0x8], $0x140, $0x38;
	[tilespmem:$0x1C5C0] =	vst v63  }
0x119: {  	_ =	swait.ge [sflag:s3], $0x140  }
0x11a: {  	[sflag:s3] =	ssyncset.done $0x0  }
0x11b: {  	s22 =	simm.s32 $0x7440;
	s20 =	rddreg [dreg:$0xd];
	[sflag:s3] =	ssyncadd.s32 $0xFFFFFEC0  }
0x11c: {  	[hbm4b:s20+s5] =	stream.linear.scatter [tilespmem:s22], [sflag:$0x8], $0x140, $0x38;
	[tilespmem:$0x1C5C0] =	vst v63  }
0x11d: {  	_ =	swait.ge [sflag:s3], $0x140  }
0x11e: {  	[sflag:s3] =	ssyncset.done $0x0  }
0x11f: {  	s19 =	simm.s32 $0x7580;
	s16 =	rddreg [dreg:$0xe];
	[sflag:s3] =	ssyncadd.s32 $0xFFFFFEC0  }
0x120: {  	[hbm4b:s16+s5] =	stream.linear.scatter [tilespmem:s19], [sflag:$0x8], $0x140, $0x38;
	[tilespmem:$0x1C5C0] =	vst v63  }
0x121: {  	_ =	swait.ge [sflag:s3], $0x140  }
0x122: {  	[sflag:s3] =	ssyncset.done $0x0  }
0x123: {  	s22 =	simm.s32 $0x76C0;
	s20 =	rddreg [dreg:$0xf];
	[sflag:s3] =	ssyncadd.s32 $0xFFFFFEC0  }
0x124: {  	[hbm4b:s20+s5] =	stream.linear.scatter [tilespmem:s22], [sflag:$0x8], $0x140, $0x38;
	[tilespmem:$0x1C5C0] =	vst v63  }
0x125: {  	_ =	swait.ge [sflag:s3], $0x140  }
0x126: {  	[sflag:s3] =	ssyncset.done $0x0  }
0x127: {  	s19 =	simm.s32 $0x7800;
	s16 =	rddreg [dreg:$0x10];
	[sflag:s3] =	ssyncadd.s32 $0xFFFFFEC0  }
0x128: {  	[hbm4b:s16+s5] =	stream.linear.scatter [tilespmem:s19], [sflag:$0x8], $0x140, $0x38;
	[tilespmem:$0x1C5C0] =	vst v63  }
0x129: {  	_ =	swait.ge [sflag:s3], $0x140  }
0x12a: {  	[sflag:s3] =	ssyncset.done $0x0  }
0x12b: {  	s22 =	simm.s32 $0x7940;
	s20 =	rddreg [dreg:$0x11];
	[sflag:s3] =	ssyncadd.s32 $0xFFFFFEC0  }
0x12c: {  	[hbm4b:s20+s5] =	stream.linear.scatter [tilespmem:s22], [sflag:$0x8], $0x140, $0x38;
	[tilespmem:$0x1C5C0] =	vst v63  }
0x12d: {  	_ =	swait.ge [sflag:s3], $0x140  }
0x12e: {  	[sflag:s3] =	ssyncset.done $0x0  }
0x12f: {  	s19 =	simm.s32 $0x7A80;
	s16 =	rddreg [dreg:$0x12];
	[sflag:s3] =	ssyncadd.s32 $0xFFFFFEC0  }
0x130: {  	[hbm4b:s16+s5] =	stream.linear.scatter [tilespmem:s19], [sflag:$0x8], $0x140, $0x38;
	[tilespmem:$0x1C5C0] =	vst v63  }
0x131: {  	_ =	swait.ge [sflag:s3], $0x140  }
0x132: {  	[sflag:s3] =	ssyncset.done $0x0  }
0x133: {  	s22 =	simm.s32 $0x7BC0;
	s20 =	rddreg [dreg:$0x13];
	[sflag:s3] =	ssyncadd.s32 $0xFFFFFEC0  }
0x134: {  	[hbm4b:s20+s5] =	stream.linear.scatter [tilespmem:s22], [sflag:$0x8], $0x140, $0x38;
	[tilespmem:$0x1C5C0] =	vst v63  }
0x135: {  	_ =	swait.ge [sflag:s3], $0x140  }
0x136: {  	[sflag:s3] =	ssyncset.done $0x0  }
0x137: {  	s19 =	simm.s32 $0x7D00;
	s16 =	rddreg [dreg:$0x17];
	[sflag:s3] =	ssyncadd.s32 $0xFFFFFEC0  }
0x138: {  	[hbm4b:s16+s5] =	stream.linear.scatter [tilespmem:s19], [sflag:$0x8], $0x140, $0x38;
	[tilespmem:$0x1C5C0] =	vst v63  }
0x139: {  	_ =	swait.ge [sflag:s3], $0x140  }
0x13a: {  	[sflag:s3] =	ssyncset.done $0x0  }
0x13b: {  	s22 =	simm.s32 $0x7E40;
	s20 =	rddreg [dreg:$0x18];
	[sflag:s3] =	ssyncadd.s32 $0xFFFFFEC0  }
0x13c: {  	[hbm4b:s20+s5] =	stream.linear.scatter [tilespmem:s22], [sflag:$0x8], $0x140, $0x38;
	[tilespmem:$0x1C5C0] =	vst v63  }
0x13d: {  	_ =	swait.ge [sflag:s3], $0x140  }
0x13e: {  	[sflag:s3] =	ssyncset.done $0x0  }
0x13f: {  	s19 =	simm.s32 $0x7F80;
	s16 =	rddreg [dreg:$0x19];
	[sflag:s3] =	ssyncadd.s32 $0xFFFFFEC0  }
0x140: {  	[hbm4b:s16+s5] =	stream.linear.scatter [tilespmem:s19], [sflag:$0x8], $0x140, $0x38;
	[tilespmem:$0x1C5C0] =	vst v63  }
0x141: {  	_ =	swait.ge [sflag:s3], $0x140  }
0x142: {  	[sflag:s3] =	ssyncset.done $0x0  }
0x143: {  	s20 =	rddreg [dreg:$0x1a];
	[sflag:s3] =	ssyncadd.s32 $0xFFFFFEC0  }
0x144: {  	[hbm4b:s20+s5] =	stream.linear.scatter [tilespmem:s23], [sflag:$0x8], $0x140, $0x38;
	[tilespmem:$0x1C5C0] =	vst v63  }
0x145: {  	_ =	swait.ge [sflag:s3], $0x140  }
0x146: {  	[sflag:s3] =	ssyncset.done $0x0  }
0x147: {  	s22 =	rddreg [dreg:$0x1b];
	[sflag:s3] =	ssyncadd.s32 $0xFFFFFEC0  }
0x148: {  	[hbm4b:s22+s5] =	stream.linear.scatter [tilespmem:s24], [sflag:$0x8], $0x140, $0x38;
	[tilespmem:$0x1C5C0] =	vst v63  }
0x149: {  	_ =	swait.ge [sflag:s3], $0x140  }
0x14a: {  	[sflag:s3] =	ssyncset.done $0x0  }
0x14b: {  	s15 =	rddreg [dreg:$0x1c];
	[sflag:s3] =	ssyncadd.s32 $0xFFFFFEC0  }
0x14c: {  	[hbm4b:s15+s5] =	stream.linear.scatter [tilespmem:s26], [sflag:$0x8], $0x140, $0x38;
	[tilespmem:$0x1C5C0] =	vst v63  }
0x14d: {  	_ =	swait.ge [sflag:s3], $0x140  }
0x14e: {  	[sflag:s3] =	ssyncset.done $0x0  }
0x14f: {  	s16 =	rddreg [dreg:$0x1d];
	[sflag:s3] =	ssyncadd.s32 $0xFFFFFEC0  }
0x150: {  	[hbm4b:s16+s5] =	stream.linear.scatter [tilespmem:s28], [sflag:$0x8], $0x140, $0x38;
	[tilespmem:$0x1C5C0] =	vst v63  }
0x151: {  	_ =	swait.ge [sflag:s3], $0x140  }
0x152: {  	[sflag:s3] =	ssyncset.done $0x0  }
0x153: {  	s19 =	rddreg [dreg:$0x14];
	[sflag:s3] =	ssyncadd.s32 $0xFFFFFEC0  }
0x154: {  	[hbm4b:s19+s5] =	stream.linear.scatter [tilespmem:s31], [sflag:$0x8], $0xA000, $0x38;
	[tilespmem:$0x1C5C0] =	vst v63  }
0x155: {  	_ =	swait.ge [sflag:s3], $0xA000  }
0x156: {  	[sflag:s3] =	ssyncset.done $0x0  }
0x157: {  	s15 =	simm.s32 $0x125C0;
	s20 =	rddreg [dreg:$0x15];
	[sflag:s3] =	ssyncadd.s32 $0xFFFF6000  }
0x158: {  	[hbm4b:s20+s5] =	stream.linear.scatter [tilespmem:s15], [sflag:$0x8], $0xA000, $0x38;
	[tilespmem:$0x1C5C0] =	vst v63  }
0x159: {  	_ =	swait.ge [sflag:s3], $0xA000  }
0x15a: {  	s7 =	sadd.s32 $0x1, s7;
	s22 =	rddreg [dreg:$0x16]  }
0x15b: {  	p0 =	sne.s32 s7, s22  }
.Ltmp7:
0x15c: {  	_ = 	snop;
	(pc) =	sbr.rel @p0 .LBB2_1-.Ltmp7, $3  }
0x15d: {  	_ =	sdelay $0x1  }
0x15e: {  	[sflag:s3] =	ssyncset.done $0x0  }
0x15f: {  	[sflag:s3] =	ssyncadd.s32 $0xFFFF6000  }
0x160: {  	_ =	sfence.sel $0x180000  }
0x161: {  	[bflag:$0x0] =	sbarrier.arrive $0xFFFF  }
0x162: {  	_ =	strace $0x9000004A  }
0x163: {  	s0 =	stileid.u32;
	[bflag:$0x2] =	sbarrier.arrive $0xFFFF  }
0x164: {  	p0 =	sne.s32 s0, $0x0;
	s0 =	rddreg [dreg:$0x6]  }
0x165: {  	s0 =	sadd.s32 @!p0 $0x100000, s0  }
0x166: {  	[sflag:s0] =	ssyncadd.tile.s32 @!p0 $0x1;
	_ =	shalt  }
.Lfunc_end2:
_tile_overlayer_lowered:
.L_overlay_start_2:
0x167: {  	(tag) =	ssettag $0x2  }
0x168: {  	s0 =	rddreg [dreg:$0x0];
	s2 =	stileid.u32  }
0x169: {  	s1 =	rddreg [dreg:$0x1];
	p0 =	sne.s32 s2, $0x0  }
0x16a: {  	s3 =	rddreg [dreg:$0x2];
	[bflag:$0x3] =	sbarrier.arrive $0xFFFF;
	s2 =	simm.s32 @!p0 $0x1C08  }
0x16b: {  	[timem:s3], [sflag:s2] =	dma.local @!p0 [hbm:s0], s1  }
0x16c: {  	s0 =	simm.s32 @!p0 $0x8  }
0x16d: {  	_ =	swait.ge @!p0 [sflag:s0], s1  }
0x16e: {  	s1 =	ssub.s32 @!p0 $0x0, s1;
	[sflag:s0] =	ssyncset.done @!p0 $0x0  }
0x16f: {  	[sflag:s0] =	ssyncadd.s32 @!p0 s1  }
0x170: {  	[bflag:$0x3] =	sbarrier.arrive $0xFFFF  }
0x171: {  	_ =	shalt  }

</sc_bundles>
